<compile_context>
chip_gen: v7x
topology: tpu7x:2x2x1
jax: 0.10.2.dev20260603
libtpu: 0.0.44.dev20260713+nightly
codegen_flags: <defaults>
</compile_context>

<pallas_src>
import functools

import jax
import jax.numpy as jnp
from jax import lax
from jax.experimental import pallas as pl
from jax.experimental.pallas import tpu as pltpu
from jax.experimental.pallas import tpu_sc as plsc


def _prep_body(xT_ref, yT_ref, dT_ref, ct_ref, bnd_ref):
    x = xT_ref[0]
    y = yT_ref[0]
    K, C = x.shape
    kk = lax.broadcasted_iota(jnp.int32, (1, K, 1), 1)

    v = jnp.concatenate([x, y], axis=1)
    a = v[:, None, :]
    rank = jnp.sum((a < v[None, :, :]).astype(jnp.int32), axis=0)
    cand = jnp.where(rank[:, None, :] <= kk, a, -jnp.inf)
    sv = jnp.max(cand, axis=0)
    sx = sv[:, :C]
    sy = sv[:, C:]
    dr = dT_ref[0]
    delta = jnp.maximum(dr, 0.0) + jnp.log(1.0 + jnp.exp(-jnp.abs(dr)))

    z1 = jnp.zeros((1, C), jnp.float32)

    def dup(v):
        return jnp.concatenate([v, v], axis=1)

    def c0(v):
        return jnp.concatenate([v[0:1], v[1:K - 1] - v[0:K - 2], z1], axis=0)

    def c1(v):
        return jnp.concatenate([v[1:2], v[2:K] - v[1:K - 1], z1], axis=0)

    rows = [dup(sx), dup(c0(sx)), dup(c1(sx)), dup(c0(sy)), dup(c1(sy)),
            dup(c0(delta)), dup(c1(delta)), jnp.zeros((K, 2 * C), jnp.float32)]
    ct_ref[0] = jnp.concatenate([r[:, None, :] for r in rows], axis=1)
    bnd_ref[0] = dup(jnp.concatenate(
        [sx[0:1], sy[0:1], delta[0:1], sx[K - 1:K], sy[K - 1:K],
         delta[K - 1:K], z1, z1], axis=0))


def _prep_tables(xT, yT, dT):
    NCls, K, C = xT.shape
    L = 2 * C
    ct = jax.ShapeDtypeStruct((NCls, K, 8, L), jnp.float32)
    bnd = jax.ShapeDtypeStruct((NCls, 8, L), jnp.float32)
    in_spec = pl.BlockSpec((1, K, C), lambda c: (c, 0, 0))
    ct_spec = pl.BlockSpec((1, K, 8, L), lambda c: (c, 0, 0, 0))
    bnd_spec = pl.BlockSpec((1, 8, L), lambda c: (c, 0, 0))
    return pl.pallas_call(
        _prep_body,
        grid=(NCls,),
        in_specs=[in_spec] * 3,
        out_specs=[ct_spec, bnd_spec],
        out_shape=[ct, bnd],
    )(xT, yT, dT)


def _route_body(ncls, lab_ref, pos_ref, off_ref):
    lab = lab_ref[...]
    RL, L = lab.shape
    N = RL * L
    tri = (lax.broadcasted_iota(jnp.int32, (L, L), 0)
           <= lax.broadcasted_iota(jnp.int32, (L, L), 1)).astype(jnp.float32)
    erow = (lax.broadcasted_iota(jnp.int32, (RL, RL), 0)
            < lax.broadcasted_iota(jnp.int32, (RL, RL), 1)).astype(jnp.float32)
    lane = lax.broadcasted_iota(jnp.int32, (1, L), 1)

    def body(c, carry):
        pos_acc, offlane, off = carry
        m = (lab == c).astype(jnp.float32)
        pic = jnp.dot(m, tri, preferred_element_type=jnp.float32)
        tot = pic[:, L - 1:L]
        rpe = lax.dot_general(erow, tot, (((0,), (0,)), ((), ())),
                              preferred_element_type=jnp.float32)
        posc = off + rpe + pic - 1.0
        pos_acc = pos_acc + m * posc
        offlane = offlane + jnp.where(lane == c, off, 0.0)
        return pos_acc, offlane, off + jnp.sum(tot)

    pos_acc, offlane, _ = lax.fori_loop(
        0, ncls, body,
        (jnp.zeros((RL, L), jnp.float32), jnp.zeros((1, L), jnp.float32),
         jnp.float32(0.0)))
    offlane = offlane + jnp.where(lane == ncls, jnp.float32(N), 0.0)
    pos_ref[...] = pos_acc.astype(jnp.int32)
    off_ref[...] = jnp.broadcast_to(offlane, (8, L)).astype(jnp.int32)


def _route(lab2d, ncls):
    RL, L = lab2d.shape
    return pl.pallas_call(
        functools.partial(_route_body, ncls),
        grid=(1,),
        in_specs=[pl.BlockSpec((RL, L), lambda i: (0, 0))],
        out_specs=[pl.BlockSpec((RL, L), lambda i: (0, 0)),
                   pl.BlockSpec((8, L), lambda i: (0, 0))],
        out_shape=[jax.ShapeDtypeStruct((RL, L), jnp.int32),
                   jax.ShapeDtypeStruct((8, L), jnp.int32)],
    )(lab2d)


def _mm_body(d_ref, w_ref, o_ref):
    o_ref[...] = jnp.dot(d_ref[...], w_ref[...],
                         preferred_element_type=jnp.float32)


def _matmul(data, wT, bt):
    N, D = data.shape
    C = wT.shape[1]
    return pl.pallas_call(
        _mm_body,
        grid=(N // bt,),
        in_specs=[pl.BlockSpec((bt, D), lambda i: (i, 0)),
                  pl.BlockSpec((D, C), lambda i: (0, 0))],
        out_specs=pl.BlockSpec((bt, C), lambda i: (i, 0)),
        out_shape=jax.ShapeDtypeStruct((N, C), jnp.float32),
    )(data, wT)


def _sc_scatter(data0, pos):
    N, C = data0.shape
    info = plsc.get_sparse_core_info()
    nw = info.num_cores * info.num_subcores
    chunk = N // nw
    mesh = plsc.VectorSubcoreMesh(core_axis_name="c", subcore_axis_name="s")

    @functools.partial(
        pl.kernel, mesh=mesh,
        out_type=jax.ShapeDtypeStruct((N, C), jnp.float32),
        scratch_types=[pltpu.VMEM((chunk, C), jnp.float32),
                       pltpu.VMEM((chunk,), jnp.int32),
                       pltpu.SemaphoreType.DMA],
    )
    def scat(d0_hbm, pos_hbm, out_hbm, buf, idx, sem):
        wid = lax.axis_index("s") * info.num_cores + lax.axis_index("c")
        base = wid * chunk
        pltpu.sync_copy(d0_hbm.at[pl.ds(base, chunk)], buf)
        pltpu.sync_copy(pos_hbm.at[pl.ds(base, chunk)], idx)
        pltpu.async_copy(buf, out_hbm.at[idx], sem).wait()

    return scat(data0, pos)


def _sc_gather(d1s, pos):
    N, C = d1s.shape
    info = plsc.get_sparse_core_info()
    nw = info.num_cores * info.num_subcores
    chunk = N // nw
    mesh = plsc.VectorSubcoreMesh(core_axis_name="c", subcore_axis_name="s")

    @functools.partial(
        pl.kernel, mesh=mesh,
        out_type=jax.ShapeDtypeStruct((N, C), jnp.float32),
        scratch_types=[pltpu.VMEM((chunk, C), jnp.float32),
                       pltpu.VMEM((chunk,), jnp.int32),
                       pltpu.SemaphoreType.DMA],
    )
    def gath(d1_hbm, pos_hbm, outd_hbm, bufd, idx, sem):
        wid = lax.axis_index("s") * info.num_cores + lax.axis_index("c")
        base = wid * chunk
        pltpu.sync_copy(pos_hbm.at[pl.ds(base, chunk)], idx)
        pltpu.async_copy(d1_hbm.at[idx], bufd, sem).wait()
        pltpu.sync_copy(bufd, outd_hbm.at[pl.ds(base, chunk)])

    return gath(d1s, pos)


def _spline_body(ncls, nbin, ncomp, br,
                 off_ref, d0_ref, ct_ref, bnd_ref, o_ref):
    i = pl.program_id(0)
    blk = d0_ref[...]
    d0 = jnp.concatenate([blk[:br, :ncomp], blk[br:, :ncomp]], axis=1)
    R, L = d0.shape
    tstart = i * (2 * br)
    tend = tstart + 2 * br
    half = (lax.broadcasted_iota(jnp.int32, (R, L), 1) >= ncomp).astype(jnp.int32)
    g = tstart + lax.broadcasted_iota(jnp.int32, (R, L), 0) + br * half
    zero = jnp.zeros((R, L), jnp.float32)

    def do_class(c, lo, hi, carry):
        OUT, LOGD = carry

        def one(j, jc):
            a0, a1, b0, b1, g0, g1 = jc
            t8 = ct_ref[c, j]
            u = (d0 > t8[0:1, :]).astype(jnp.float32)
            a0 = a0 + t8[1:2, :] * u
            a1 = a1 + t8[2:3, :] * u
            b0 = b0 + t8[3:4, :] * u
            b1 = b1 + t8[4:5, :] * u
            g0 = g0 + t8[5:6, :] * u
            g1 = g1 + t8[6:7, :] * u
            return (a0, a1, b0, b1, g0, g1)

        unroll = 6
        q, rem = divmod(nbin - 1, unroll)

        def jbu(jj, jc):
            j = unroll * jj
            for u_off in range(unroll):
                jc = one(j + u_off, jc)
            return jc

        A = lax.fori_loop(0, q, jbu, (zero,) * 6)
        for u_tail in range(rem):
            A = one(unroll * q + u_tail, A)
        X0, X1, Y0, Y1, E0, E1 = A
        bb = bnd_ref[c]
        XL, YL, DL = bb[0:1, :], bb[1:2, :], bb[2:3, :]
        XR, YR, DR = bb[3:4, :], bb[4:5, :], bb[5:6, :]

        dx = X1 - X0
        dyv = Y1 - Y0
        s = dyv / dx
        t = jnp.clip((d0 - X0) / dx, 0.0, 1.0)
        omt = 1.0 - t
        den = s + (E0 + E1 - 2.0 * s) * t * omt
        y_in = Y0 + dyv * (s * t * t + E0 * t * omt) / den
        der = (s * s * (E1 * t * t + 2.0 * s * t * omt + E0 * omt * omt)
               / (den * den))
        below = d0 <= XL
        above = d0 > XR
        val = jnp.where(below, YL + (d0 - XL) * DL,
                        jnp.where(above, YR + (d0 - XR) * DR, y_in))
        logd = jnp.where(below, jnp.log(DL),
                         jnp.where(above, jnp.log(DR), jnp.log(der)))
        m = (g >= lo) & (g < hi)
        return jnp.where(m, val, OUT), jnp.where(m, logd, LOGD)

    def cls_body(c, carry):
        lo = off_ref[c]
        hi = off_ref[c + 1]
        return lax.cond((hi > tstart) & (lo < tend),
                        lambda cr: do_class(c, lo, hi, cr),
                        lambda cr: cr, carry)

    OUT, LOGD = lax.fori_loop(0, ncls, cls_body, (zero, zero))
    delta = OUT - d0
    la = jnp.sum(LOGD[:, :ncomp], axis=1, keepdims=True)
    lb = jnp.sum(LOGD[:, ncomp:], axis=1, keepdims=True)
    o_ref[...] = jnp.concatenate([
        jnp.concatenate(
            [delta[:, :ncomp], jnp.broadcast_to(la, (R, ncomp))], axis=1),
        jnp.concatenate(
            [delta[:, ncomp:], jnp.broadcast_to(lb, (R, ncomp))], axis=1),
    ], axis=0)


def _spline(d0s, offsets, tabs, ncls, nbin, ncomp, br):
    N, L = d0s.shape
    ct, bnd = tabs
    body = functools.partial(_spline_body, ncls, nbin, ncomp, br)
    ct_spec = pl.BlockSpec(ct.shape, lambda i, off: (0, 0, 0, 0))
    bnd_spec = pl.BlockSpec(bnd.shape, lambda i, off: (0, 0, 0))
    blk = pl.BlockSpec((2 * br, L), lambda i, off: (i, 0))
    return pl.pallas_call(
        body,
        grid_spec=pltpu.PrefetchScalarGridSpec(
            num_scalar_prefetch=1,
            grid=(N // (2 * br),),
            in_specs=[blk, ct_spec, bnd_spec],
            out_specs=[blk]),
        out_shape=[jax.ShapeDtypeStruct((N, L), jnp.float32)],
    )(offsets, d0s, ct, bnd)


def _fin_body(ncomp, d_ref, dl_ref, w_ref, o_ref):
    o_ref[...] = d_ref[...] + lax.dot_general(
        dl_ref[...][:, :ncomp], w_ref[...],
        dimension_numbers=(((1,), (1,)), ((), ())),
        preferred_element_type=jnp.float32)


def _final(data, delta1p, wT, bt):
    N, D = data.shape
    C = wT.shape[1]
    Lp = delta1p.shape[1]
    return pl.pallas_call(
        functools.partial(_fin_body, C),
        grid=(N // bt,),
        in_specs=[pl.BlockSpec((bt, D), lambda i: (i, 0)),
                  pl.BlockSpec((bt, Lp), lambda i: (i, 0)),
                  pl.BlockSpec((D, C), lambda i: (0, 0))],
        out_specs=pl.BlockSpec((bt, D), lambda i: (i, 0)),
        out_shape=jax.ShapeDtypeStruct((N, D), jnp.float32),
    )(data, delta1p, wT)


def kernel(data, label, wT, x_raw, y_raw, deriv_raw):
    N, D = data.shape
    C = wT.shape[1]
    NCls, _, K = x_raw.shape

    xT = jnp.transpose(x_raw, (0, 2, 1))
    yT = jnp.transpose(y_raw, (0, 2, 1))
    dT = jnp.transpose(deriv_raw, (0, 2, 1))
    tabs = _prep_tables(xT, yT, dT)

    pos2d, offv = _route(label.reshape(N // 128, 128), NCls)
    pos = pos2d.reshape(N)
    offsets = offv[0, :NCls + 1]

    wTp = jnp.pad(wT, ((0, 0), (0, 128 - C)))
    data0 = _matmul(data, wTp, bt=512)
    data0s = _sc_scatter(data0, pos)

    (d1s,) = _spline(data0s, offsets, tabs, NCls, K, C, br=32)

    d1u = _sc_gather(d1s, pos)
    logj = d1u[:, C]
    out = _final(data, d1u, wT, bt=512)
    return out, logj

# --- scband reference (transcript-rebuilt; emitter-appended) ---
"""Pipeline reference for scband-conditional-sliced-transport-discrete-37151467110991 (READ-ONLY COPY).

The authoritative reference and input builder live on the scoring server;
editing this copy changes nothing except your own understanding.
"""

import jax, jax.numpy as jnp
import numpy as np

NDIM = 2048
NCOMP = 64
NCLASS = 16
NBIN = 100
NTOK = 4096


def _rq_spline(data0, label, xs, ys, delta):
    # data0: (N, C); xs/ys/delta: (NCLASS, C, K) sorted knots / positive derivs
    N, C = data0.shape
    K = xs.shape[-1]
    xk = xs[label]  # (N, C, K) per-token knot gather (class routing)
    idx = jnp.sum(data0[:, :, None] > xk, axis=-1)  # (N, C) in [0, K]
    k = jnp.clip(idx - 1, 0, K - 2)
    base = label[:, None] * (C * K) + jnp.arange(C)[None, :] * K  # (N, C)
    fx = xs.reshape(-1)
    fy = ys.reshape(-1)
    fd = delta.reshape(-1)
    i0 = base + k
    x0 = fx[i0]; x1 = fx[i0 + 1]
    y0 = fy[i0]; y1 = fy[i0 + 1]
    d0 = fd[i0]; d1 = fd[i0 + 1]
    dx = x1 - x0
    dy = y1 - y0
    s = dy / dx
    t = jnp.clip((data0 - x0) / dx, 0.0, 1.0)
    denom = s + (d0 + d1 - 2.0 * s) * t * (1.0 - t)
    y_in = y0 + dy * (s * t * t + d0 * t * (1.0 - t)) / denom
    deriv_in = s * s * (d1 * t * t + 2.0 * s * t * (1.0 - t) + d0 * (1.0 - t) ** 2) / (denom * denom)
    logd_in = jnp.log(deriv_in)
    xl = fx[base]; xr = fx[base + (K - 1)]
    yl = fy[base]; yr = fy[base + (K - 1)]
    dl = fd[base]; dr = fd[base + (K - 1)]
    below = idx == 0
    above = idx == K
    out = jnp.where(below, yl + (data0 - xl) * dl,
                    jnp.where(above, yr + (data0 - xr) * dr, y_in))
    logd = jnp.where(below, jnp.log(dl), jnp.where(above, jnp.log(dr), logd_in))
    return out, logd


def setup_inputs(seed: int = 0):
    key = jax.random.key(seed)
    k1, k2, k3, k4, k5, k6 = jax.random.split(key, 6)
    data = jax.random.normal(k1, (NTOK, NDIM), dtype=jnp.float32)
    label = jax.random.randint(k2, (NTOK,), 0, NCLASS, dtype=jnp.int32)
    # wT parameter: orthonormal columns via QR with sign fix (as in __init__)
    wi = jax.random.normal(k3, (NDIM, NCOMP), dtype=jnp.float32)
    Q, R = jnp.linalg.qr(wi)
    wT = Q * jnp.sign(jnp.diag(R))[None, :]
    # Per-class RQspline raw params (sorted / softplus'd inside reference)
    base = jnp.linspace(-3.0, 3.0, NBIN, dtype=jnp.float32)
    x_raw = base[None, None, :] + 0.01 * jax.random.normal(k4, (NCLASS, NCOMP, NBIN), dtype=jnp.float32)
    y_raw = base[None, None, :] + 0.01 * jax.random.normal(k5, (NCLASS, NCOMP, NBIN), dtype=jnp.float32)
    deriv_raw = jax.random.normal(k6, (NCLASS, NCOMP, NBIN), dtype=jnp.float32)
    return {"data": data, "label": label, "wT": wT,
            "x_raw": x_raw, "y_raw": y_raw, "deriv_raw": deriv_raw}


def reference(data, label, wT, x_raw, y_raw, deriv_raw):
    # forward(data, param) -> transform(..., mode='forward')
    xs = jnp.sort(x_raw, axis=-1)
    ys = jnp.sort(y_raw, axis=-1)
    delta = jax.nn.softplus(deriv_raw)
    data0 = data @ wT                      # (N, NCOMP)
    remaining = data - data0 @ wT.T        # (N, NDIM)
    data1, logd = _rq_spline(data0, label, xs, ys, delta)
    logj = jnp.sum(logd, axis=1)           # (N,)
    out = remaining + data1 @ wT.T         # (N, NDIM)
    return out, logj

if __name__ == "__main__":
    import jax
    _d = setup_inputs()
    print(jax.jit(kernel)(*tuple(_d.values())))

</pallas_src>

<mosaic_0001>
#map = affine_map<(d0, d1) -> (0, 0)>
#map1 = affine_map<(d0, d1) -> (0)>
module attributes {stable_mosaic.version = 14 : i64} {
  func.func @scat(%arg0: i32, %arg1: i32, %arg2: memref<4096x128xf32, #tpu.memory_space<hbm>>, %arg3: memref<4096xi32, #tpu.memory_space<hbm>>, %arg4: memref<4096x128xf32, #tpu.memory_space<hbm>>, %arg5: memref<128x128xf32, #tpu.memory_space<vmem>>, %arg6: memref<128xi32, #tpu.memory_space<vmem>>, %arg7: memref<!tpu.dma_semaphore, #tpu.memory_space<semaphore_mem>>) attributes {dimension_semantics = [#tpu.dimension_semantics<core_parallel>, #tpu.dimension_semantics<subcore_parallel>], iteration_bounds = array<i64: 2, 16>, scalar_prefetch = 0 : i64, scratch_operands = 3 : i64, tpu.core_type = #tpu.core_type<sc_vector_subcore>, window_params = [{transform_indices = #map}, {transform_indices = #map1}, {transform_indices = #map}]} {
    %mul3A = arith.constant 2 : i32
    %mul3A_0 = arith.muli %arg1, %mul3A : i32
    %add3A = arith.addi %mul3A_0, %arg0 : i32
    %mul3A_1 = arith.constant 128 : i32
    %mul3A_2 = arith.muli %add3A, %mul3A_1 : i32
    "tpu.region"() ({
      %run_scoped3A = tpu.sem_alloc : memref<!tpu.dma_semaphore, #tpu.memory_space<semaphore_mem>>
      %dma_start3A_7 = arith.constant 0 : i32
      %dma_start3A_8 = tpu.memref_slice %arg2[%mul3A_2, %dma_start3A_7] : memref<4096x128xf32, #tpu.memory_space<hbm>> -> memref<128x128xf32, #tpu.memory_space<hbm>>
      %dma_start3A_9 = arith.constant 0 : i32
      %dma_start3A_10 = tpu.memref_slice %arg2[%mul3A_2, %dma_start3A_9] : memref<4096x128xf32, #tpu.memory_space<hbm>> -> memref<128x128xf32, #tpu.memory_space<hbm>>
      tpu.enqueue_dma source(%dma_start3A_10 : memref<128x128xf32, #tpu.memory_space<hbm>>) target(%arg5 : memref<128x128xf32, #tpu.memory_space<vmem>>) target_semaphore(%run_scoped3A : memref<!tpu.dma_semaphore, #tpu.memory_space<semaphore_mem>>)
      %dma_wait3A_11 = arith.constant 0 : i32
      %dma_wait3A_12 = tpu.memref_slice %arg2[%mul3A_2, %dma_wait3A_11] : memref<4096x128xf32, #tpu.memory_space<hbm>> -> memref<128x128xf32, #tpu.memory_space<hbm>>
      %dma_wait3A_13 = arith.constant 0 : i32
      %dma_wait3A_14 = tpu.memref_slice %arg2[%mul3A_2, %dma_wait3A_13] : memref<4096x128xf32, #tpu.memory_space<hbm>> -> memref<128x128xf32, #tpu.memory_space<hbm>>
      tpu.wait_dma2 semaphore(%run_scoped3A : memref<!tpu.dma_semaphore, #tpu.memory_space<semaphore_mem>>) src(%dma_wait3A_14 : memref<128x128xf32, #tpu.memory_space<hbm>>) dst(%arg5 : memref<128x128xf32, #tpu.memory_space<vmem>>)
      tpu.yield
    }) : () -> ()
    "tpu.region"() ({
      %run_scoped3A = tpu.sem_alloc : memref<!tpu.dma_semaphore, #tpu.memory_space<semaphore_mem>>
      %dma_start3A_7 = tpu.memref_slice %arg3[%mul3A_2] : memref<4096xi32, #tpu.memory_space<hbm>> -> memref<128xi32, #tpu.memory_space<hbm>>
      %dma_start3A_8 = tpu.memref_slice %arg3[%mul3A_2] : memref<4096xi32, #tpu.memory_space<hbm>> -> memref<128xi32, #tpu.memory_space<hbm>>
      tpu.enqueue_dma source(%dma_start3A_8 : memref<128xi32, #tpu.memory_space<hbm>>) target(%arg6 : memref<128xi32, #tpu.memory_space<vmem>>) target_semaphore(%run_scoped3A : memref<!tpu.dma_semaphore, #tpu.memory_space<semaphore_mem>>)
      %dma_wait3A_9 = tpu.memref_slice %arg3[%mul3A_2] : memref<4096xi32, #tpu.memory_space<hbm>> -> memref<128xi32, #tpu.memory_space<hbm>>
      %dma_wait3A_10 = tpu.memref_slice %arg3[%mul3A_2] : memref<4096xi32, #tpu.memory_space<hbm>> -> memref<128xi32, #tpu.memory_space<hbm>>
      tpu.wait_dma2 semaphore(%run_scoped3A : memref<!tpu.dma_semaphore, #tpu.memory_space<semaphore_mem>>) src(%dma_wait3A_10 : memref<128xi32, #tpu.memory_space<hbm>>) dst(%arg6 : memref<128xi32, #tpu.memory_space<vmem>>)
      tpu.yield
    }) : () -> ()
    %dma_start3A = arith.constant 0 : i32
    %dma_start3A_3 = arith.constant 0 : i32
    %dma_start3A_4 = tpu.memref_slice %arg4[%dma_start3A, %dma_start3A_3] : memref<4096x128xf32, #tpu.memory_space<hbm>> -> memref<4096x128xf32, #tpu.memory_space<hbm>>
    tpu.enqueue_indirect_dma source(%arg5 : memref<128x128xf32, #tpu.memory_space<vmem>>) target(%dma_start3A_4 : memref<4096x128xf32, #tpu.memory_space<hbm>>) offsets(%arg6 : memref<128xi32, #tpu.memory_space<vmem>>) semaphore(%arg7 : memref<!tpu.dma_semaphore, #tpu.memory_space<semaphore_mem>>)
    %dma_wait3A = arith.constant 0 : i32
    %dma_wait3A_5 = arith.constant 0 : i32
    %dma_wait3A_6 = tpu.memref_slice %arg4[%dma_wait3A, %dma_wait3A_5] : memref<4096x128xf32, #tpu.memory_space<hbm>> -> memref<4096x128xf32, #tpu.memory_space<hbm>>
    tpu.wait_indirect_dma semaphore(%arg7 : memref<!tpu.dma_semaphore, #tpu.memory_space<semaphore_mem>>) src(%arg5 : memref<128x128xf32, #tpu.memory_space<vmem>>) dst(%dma_wait3A_6 : memref<4096x128xf32, #tpu.memory_space<hbm>>)
    return
  }
}

#map = affine_map<(d0, d1) -> (0, 0)>
#map1 = affine_map<(d0, d1) -> (0)>
module attributes {stable_mosaic.version = 14 : i64} {
  func.func @gath(%arg0: i32, %arg1: i32, %arg2: memref<4096x128xf32, #tpu.memory_space<hbm>>, %arg3: memref<4096xi32, #tpu.memory_space<hbm>>, %arg4: memref<4096x128xf32, #tpu.memory_space<hbm>>, %arg5: memref<128x128xf32, #tpu.memory_space<vmem>>, %arg6: memref<128xi32, #tpu.memory_space<vmem>>, %arg7: memref<!tpu.dma_semaphore, #tpu.memory_space<semaphore_mem>>) attributes {dimension_semantics = [#tpu.dimension_semantics<core_parallel>, #tpu.dimension_semantics<subcore_parallel>], iteration_bounds = array<i64: 2, 16>, scalar_prefetch = 0 : i64, scratch_operands = 3 : i64, tpu.core_type = #tpu.core_type<sc_vector_subcore>, window_params = [{transform_indices = #map}, {transform_indices = #map1}, {transform_indices = #map}]} {
    %mul3A = arith.constant 2 : i32
    %mul3A_0 = arith.muli %arg1, %mul3A : i32
    %add3A = arith.addi %mul3A_0, %arg0 : i32
    %mul3A_1 = arith.constant 128 : i32
    %mul3A_2 = arith.muli %add3A, %mul3A_1 : i32
    "tpu.region"() ({
      %run_scoped3A = tpu.sem_alloc : memref<!tpu.dma_semaphore, #tpu.memory_space<semaphore_mem>>
      %dma_start3A_7 = tpu.memref_slice %arg3[%mul3A_2] : memref<4096xi32, #tpu.memory_space<hbm>> -> memref<128xi32, #tpu.memory_space<hbm>>
      %dma_start3A_8 = tpu.memref_slice %arg3[%mul3A_2] : memref<4096xi32, #tpu.memory_space<hbm>> -> memref<128xi32, #tpu.memory_space<hbm>>
      tpu.enqueue_dma source(%dma_start3A_8 : memref<128xi32, #tpu.memory_space<hbm>>) target(%arg6 : memref<128xi32, #tpu.memory_space<vmem>>) target_semaphore(%run_scoped3A : memref<!tpu.dma_semaphore, #tpu.memory_space<semaphore_mem>>)
      %dma_wait3A_9 = tpu.memref_slice %arg3[%mul3A_2] : memref<4096xi32, #tpu.memory_space<hbm>> -> memref<128xi32, #tpu.memory_space<hbm>>
      %dma_wait3A_10 = tpu.memref_slice %arg3[%mul3A_2] : memref<4096xi32, #tpu.memory_space<hbm>> -> memref<128xi32, #tpu.memory_space<hbm>>
      tpu.wait_dma2 semaphore(%run_scoped3A : memref<!tpu.dma_semaphore, #tpu.memory_space<semaphore_mem>>) src(%dma_wait3A_10 : memref<128xi32, #tpu.memory_space<hbm>>) dst(%arg6 : memref<128xi32, #tpu.memory_space<vmem>>)
      tpu.yield
    }) : () -> ()
    %dma_start3A = arith.constant 0 : i32
    %dma_start3A_3 = arith.constant 0 : i32
    %dma_start3A_4 = tpu.memref_slice %arg2[%dma_start3A, %dma_start3A_3] : memref<4096x128xf32, #tpu.memory_space<hbm>> -> memref<4096x128xf32, #tpu.memory_space<hbm>>
    tpu.enqueue_indirect_dma source(%dma_start3A_4 : memref<4096x128xf32, #tpu.memory_space<hbm>>) target(%arg5 : memref<128x128xf32, #tpu.memory_space<vmem>>) offsets(%arg6 : memref<128xi32, #tpu.memory_space<vmem>>) semaphore(%arg7 : memref<!tpu.dma_semaphore, #tpu.memory_space<semaphore_mem>>)
    %dma_wait3A = arith.constant 0 : i32
    %dma_wait3A_5 = arith.constant 0 : i32
    %dma_wait3A_6 = tpu.memref_slice %arg2[%dma_wait3A, %dma_wait3A_5] : memref<4096x128xf32, #tpu.memory_space<hbm>> -> memref<4096x128xf32, #tpu.memory_space<hbm>>
    tpu.wait_indirect_dma semaphore(%arg7 : memref<!tpu.dma_semaphore, #tpu.memory_space<semaphore_mem>>) src(%dma_wait3A_6 : memref<4096x128xf32, #tpu.memory_space<hbm>>) dst(%arg5 : memref<128x128xf32, #tpu.memory_space<vmem>>)
    "tpu.region"() ({
      %run_scoped3A = tpu.sem_alloc : memref<!tpu.dma_semaphore, #tpu.memory_space<semaphore_mem>>
      %dma_start3A_7 = arith.constant 0 : i32
      %dma_start3A_8 = tpu.memref_slice %arg4[%mul3A_2, %dma_start3A_7] : memref<4096x128xf32, #tpu.memory_space<hbm>> -> memref<128x128xf32, #tpu.memory_space<hbm>>
      %dma_start3A_9 = arith.constant 0 : i32
      %dma_start3A_10 = tpu.memref_slice %arg4[%mul3A_2, %dma_start3A_9] : memref<4096x128xf32, #tpu.memory_space<hbm>> -> memref<128x128xf32, #tpu.memory_space<hbm>>
      tpu.enqueue_dma source(%arg5 : memref<128x128xf32, #tpu.memory_space<vmem>>) target(%dma_start3A_10 : memref<128x128xf32, #tpu.memory_space<hbm>>) target_semaphore(%run_scoped3A : memref<!tpu.dma_semaphore, #tpu.memory_space<semaphore_mem>>)
      %dma_wait3A_11 = arith.constant 0 : i32
      %dma_wait3A_12 = tpu.memref_slice %arg4[%mul3A_2, %dma_wait3A_11] : memref<4096x128xf32, #tpu.memory_space<hbm>> -> memref<128x128xf32, #tpu.memory_space<hbm>>
      %dma_wait3A_13 = arith.constant 0 : i32
      %dma_wait3A_14 = tpu.memref_slice %arg4[%mul3A_2, %dma_wait3A_13] : memref<4096x128xf32, #tpu.memory_space<hbm>> -> memref<128x128xf32, #tpu.memory_space<hbm>>
      tpu.wait_dma2 semaphore(%run_scoped3A : memref<!tpu.dma_semaphore, #tpu.memory_space<semaphore_mem>>) src(%arg5 : memref<128x128xf32, #tpu.memory_space<vmem>>) dst(%dma_wait3A_14 : memref<128x128xf32, #tpu.memory_space<hbm>>)
      tpu.yield
    }) : () -> ()
    return
  }
}

module attributes {stable_mosaic.version = 14 : i64} {
  func.func @_route_body(%arg0: i32, %arg1: memref<32x128xi32, #tpu.memory_space<vmem>>, %arg2: memref<32x128xi32, #tpu.memory_space<vmem>>, %arg3: memref<8x128xi32, #tpu.memory_space<vmem>>) attributes {dimension_semantics = [#tpu.dimension_semantics<arbitrary>], iteration_bounds = array<i64: 1>, scalar_prefetch = 0 : i64, scratch_operands = 0 : i64, tpu.core_type = #tpu.core_type<tc>, window_params = [{pipeline_mode = #tpu.pipeline_mode<synchronous>, transform_indices = @transform_0, window_bounds = array<i64: 32, 128>}, {pipeline_mode = #tpu.pipeline_mode<synchronous>, transform_indices = @transform_1, window_bounds = array<i64: 32, 128>}, {pipeline_mode = #tpu.pipeline_mode<synchronous>, transform_indices = @transform_2, window_bounds = array<i64: 8, 128>}]} {
    %get3A = arith.constant 0 : index
    %get3A_0 = arith.constant 0 : index
    %get3A_1 = vector.load %arg1[%get3A, %get3A_0] : memref<32x128xi32, #tpu.memory_space<vmem>>, vector<32x128xi32>
    %iota3A = tpu.iota {dimensions = array<i32: 0>} : vector<128x128xi32>
    %iota3A_2 = tpu.iota {dimensions = array<i32: 1>} : vector<128x128xi32>
    %le3A = arith.cmpi sle, %iota3A, %iota3A_2 : vector<128x128xi32>
    %convert_element_type3A = arith.extui %le3A : vector<128x128xi1> to vector<128x128xi32>
    %convert_element_type3A_3 = arith.sitofp %convert_element_type3A : vector<128x128xi32> to vector<128x128xf32>
    %iota3A_4 = tpu.iota {dimensions = array<i32: 0>} : vector<32x32xi32>
    %iota3A_5 = tpu.iota {dimensions = array<i32: 1>} : vector<32x32xi32>
    %lt3A = arith.cmpi slt, %iota3A_4, %iota3A_5 : vector<32x32xi32>
    %convert_element_type3A_6 = arith.extui %lt3A : vector<32x32xi1> to vector<32x32xi32>
    %convert_element_type3A_7 = arith.sitofp %convert_element_type3A_6 : vector<32x32xi32> to vector<32x32xf32>
    %iota3A_8 = tpu.iota {dimensions = array<i32: 1>} : vector<1x128xi32>
    %broadcast_in_dim3A = arith.constant 0.000000e+00 : f32
    %broadcast_in_dim3A_9 = vector.broadcast %broadcast_in_dim3A : f32 to vector<32x128xf32>
    %broadcast_in_dim3A_10 = arith.constant 0.000000e+00 : f32
    %broadcast_in_dim3A_11 = vector.broadcast %broadcast_in_dim3A_10 : f32 to vector<1x128xf32>
    %scan3A = arith.constant 0.000000e+00 : f32
    %scan3A_12 = arith.constant 0 : i32
    %scan3A_13 = arith.constant 16 : i32
    %scan3A_14 = arith.addi %scan3A_12, %scan3A_13 : i32
    %scan3A_15 = arith.constant 1 : i32
    %scan3A_16:3 = scf.for %scan3A_32 = %scan3A_12 to %scan3A_14 step %scan3A_15 iter_args(%scan3A_33 = %broadcast_in_dim3A_9, %scan3A_34 = %broadcast_in_dim3A_11, %scan3A_35 = %scan3A) -> (vector<32x128xf32>, vector<1x128xf32>, f32)  : i32 {
      %eq3A_36 = vector.broadcast %scan3A_32 : i32 to vector<32x128xi32>
      %eq3A_37 = arith.cmpi eq, %get3A_1, %eq3A_36 : vector<32x128xi32>
      %convert_element_type3A_38 = arith.extui %eq3A_37 : vector<32x128xi1> to vector<32x128xi32>
      %convert_element_type3A_39 = arith.sitofp %convert_element_type3A_38 : vector<32x128xi32> to vector<32x128xf32>
      %dot_general3A = arith.constant dense<0.000000e+00> : vector<32x128xf32>
      %dot_general3A_40 = tpu.matmul %convert_element_type3A_39, %convert_element_type3A_3, %dot_general3A {dimension_numbers = #tpu.dot_dimension_numbers<[1], [0], [0], [1], [0, 0, 1, 1], [], []>, transpose_lhs_hint = false} : vector<32x128xf32>, vector<128x128xf32>, vector<32x128xf32> -> vector<32x128xf32>
      %slice3A = vector.extract_strided_slice %dot_general3A_40 {offsets = [0, 127], sizes = [32, 1], strides = [1, 1]} : vector<32x128xf32> to vector<32x1xf32>
      %dot_general3A_41 = arith.constant dense<0.000000e+00> : vector<32x1xf32>
      %dot_general3A_42 = tpu.matmul %convert_element_type3A_7, %slice3A, %dot_general3A_41 {dimension_numbers = #tpu.dot_dimension_numbers<[0], [0], [1], [1], [0, 1, 1, 1], [], []>, transpose_lhs_hint = false} : vector<32x32xf32>, vector<32x1xf32>, vector<32x1xf32> -> vector<32x1xf32>
      %add3A_43 = vector.broadcast %scan3A_35 : f32 to vector<32x1xf32>
      %add3A_44 = arith.addf %add3A_43, %dot_general3A_42 : vector<32x1xf32>
      %add3A_45 = vector.broadcast %add3A_44 : vector<32x1xf32> to vector<32x128xf32>
      %add3A_46 = arith.addf %add3A_45, %dot_general3A_40 : vector<32x128xf32>
      %sub3A = arith.constant 1.000000e+00 : f32
      %sub3A_47 = vector.broadcast %sub3A : f32 to vector<32x128xf32>
      %sub3A_48 = arith.subf %add3A_46, %sub3A_47 : vector<32x128xf32>
      %mul3A = arith.mulf %convert_element_type3A_39, %sub3A_48 : vector<32x128xf32>
      %add3A_49 = arith.addf %scan3A_33, %mul3A : vector<32x128xf32>
      %eq3A_50 = vector.broadcast %scan3A_32 : i32 to vector<1x128xi32>
      %eq3A_51 = arith.cmpi eq, %iota3A_8, %eq3A_50 : vector<1x128xi32>
      %jit3A_52 = arith.constant 0.000000e+00 : f32
      %broadcast_in_dim3A_53 = vector.broadcast %scan3A_35 : f32 to vector<1x128xf32>
      %broadcast_in_dim3A_54 = vector.broadcast %jit3A_52 : f32 to vector<1x128xf32>
      %select_n3A_55 = arith.select %eq3A_51, %broadcast_in_dim3A_53, %broadcast_in_dim3A_54 : vector<1x128xi1>, vector<1x128xf32>
      %add3A_56 = arith.addf %scan3A_34, %select_n3A_55 : vector<1x128xf32>
      %reduce_sum3A = vector.shape_cast %slice3A : vector<32x1xf32> to vector<1x32x1xf32>
      %reduce_sum3A_57 = arith.constant dense<0.000000e+00> : vector<1xf32>
      %reduce_sum3A_58 = vector.multi_reduction <add>, %reduce_sum3A, %reduce_sum3A_57 [1, 2] : vector<1x32x1xf32> to vector<1xf32>
      %reduce_sum3A_59 = vector.shape_cast %reduce_sum3A_58 : vector<1xf32> to vector<1x1x1xf32>
      %reduce_sum3A_60 = vector.extract %reduce_sum3A_59[0, 0, 0] : f32 from vector<1x1x1xf32>
      %add3A_61 = arith.addf %scan3A_35, %reduce_sum3A_60 : f32
      scf.yield %add3A_49, %add3A_56, %add3A_61 : vector<32x128xf32>, vector<1x128xf32>, f32
    }
    %scan3A_17 = arith.constant 16 : i32
    %eq3A = arith.constant 16 : i32
    %eq3A_18 = vector.broadcast %eq3A : i32 to vector<1x128xi32>
    %eq3A_19 = arith.cmpi eq, %iota3A_8, %eq3A_18 : vector<1x128xi32>
    %jit3A = arith.constant 4.096000e+03 : f32
    %jit3A_20 = arith.constant 0.000000e+00 : f32
    %broadcast_in_dim3A_21 = vector.broadcast %jit3A : f32 to vector<1x128xf32>
    %broadcast_in_dim3A_22 = vector.broadcast %jit3A_20 : f32 to vector<1x128xf32>
    %select_n3A = arith.select %eq3A_19, %broadcast_in_dim3A_21, %broadcast_in_dim3A_22 : vector<1x128xi1>, vector<1x128xf32>
    %add3A = arith.addf %scan3A_16#1, %select_n3A : vector<1x128xf32>
    %convert_element_type3A_23 = arith.fptosi %scan3A_16#0 : vector<32x128xf32> to vector<32x128xi32>
    %swap3A = arith.constant 0 : index
    %swap3A_24 = arith.constant 0 : index
    %swap3A_25 = vector.load %arg2[%swap3A, %swap3A_24] : memref<32x128xi32, #tpu.memory_space<vmem>>, vector<32x128xi32>
    tpu.vector_store %arg2[%swap3A, %swap3A_24], %convert_element_type3A_23 {strides = array<i32>} : memref<32x128xi32, #tpu.memory_space<vmem>>, vector<32x128xi32>,
    %broadcast_in_dim3A_26 = vector.shape_cast %add3A : vector<1x128xf32> to vector<1x128xf32>
    %broadcast_in_dim3A_27 = vector.broadcast %broadcast_in_dim3A_26 : vector<1x128xf32> to vector<8x128xf32>
    %convert_element_type3A_28 = arith.fptosi %broadcast_in_dim3A_27 : vector<8x128xf32> to vector<8x128xi32>
    %swap3A_29 = arith.constant 0 : index
    %swap3A_30 = arith.constant 0 : index
    %swap3A_31 = vector.load %arg3[%swap3A_29, %swap3A_30] : memref<8x128xi32, #tpu.memory_space<vmem>>, vector<8x128xi32>
    tpu.vector_store %arg3[%swap3A_29, %swap3A_30], %convert_element_type3A_28 {strides = array<i32>} : memref<8x128xi32, #tpu.memory_space<vmem>>, vector<8x128xi32>,
    return
  }
  func.func @transform_0(%arg0: i32) -> (i32, i32) {
    %c0_i32 = arith.constant 0 : i32
    %c0_i32_0 = arith.constant 0 : i32
    %c0_i32_1 = arith.constant 0 : i32
    return %c0_i32, %c0_i32_0 : i32, i32
  }
  func.func @transform_1(%arg0: i32) -> (i32, i32) {
    %c0_i32 = arith.constant 0 : i32
    %c0_i32_0 = arith.constant 0 : i32
    %c0_i32_1 = arith.constant 0 : i32
    return %c0_i32, %c0_i32_0 : i32, i32
  }
  func.func @transform_2(%arg0: i32) -> (i32, i32) {
    %c0_i32 = arith.constant 0 : i32
    %c0_i32_0 = arith.constant 0 : i32
    %c0_i32_1 = arith.constant 0 : i32
    return %c0_i32, %c0_i32_0 : i32, i32
  }
}

module attributes {stable_mosaic.version = 14 : i64} {
  func.func @_mm_body(%arg0: i32, %arg1: memref<512x2048xf32, #tpu.memory_space<vmem>>, %arg2: memref<2048x128xf32, #tpu.memory_space<vmem>>, %arg3: memref<512x128xf32, #tpu.memory_space<vmem>>) attributes {dimension_semantics = [#tpu.dimension_semantics<arbitrary>], iteration_bounds = array<i64: 8>, scalar_prefetch = 0 : i64, scratch_operands = 0 : i64, tpu.core_type = #tpu.core_type<tc>, window_params = [{transform_indices = @transform_0, window_bounds = array<i64: 512, 2048>}, {pipeline_mode = #tpu.pipeline_mode<synchronous>, transform_indices = @transform_1, window_bounds = array<i64: 2048, 128>}, {transform_indices = @transform_2, window_bounds = array<i64: 512, 128>}]} {
    %get3A = arith.constant 0 : index
    %get3A_0 = arith.constant 0 : index
    %get3A_1 = vector.load %arg1[%get3A, %get3A_0] : memref<512x2048xf32, #tpu.memory_space<vmem>>, vector<512x2048xf32>
    %get3A_2 = arith.constant 0 : index
    %get3A_3 = arith.constant 0 : index
    %get3A_4 = vector.load %arg2[%get3A_2, %get3A_3] : memref<2048x128xf32, #tpu.memory_space<vmem>>, vector<2048x128xf32>
    %dot_general3A = arith.constant dense<0.000000e+00> : vector<512x128xf32>
    %dot_general3A_5 = tpu.matmul %get3A_1, %get3A_4, %dot_general3A {dimension_numbers = #tpu.dot_dimension_numbers<[1], [0], [0], [1], [0, 0, 1, 1], [], []>, transpose_lhs_hint = false} : vector<512x2048xf32>, vector<2048x128xf32>, vector<512x128xf32> -> vector<512x128xf32>
    %swap3A = arith.constant 0 : index
    %swap3A_6 = arith.constant 0 : index
    %swap3A_7 = vector.load %arg3[%swap3A, %swap3A_6] : memref<512x128xf32, #tpu.memory_space<vmem>>, vector<512x128xf32>
    tpu.vector_store %arg3[%swap3A, %swap3A_6], %dot_general3A_5 {strides = array<i32>} : memref<512x128xf32, #tpu.memory_space<vmem>>, vector<512x128xf32>,
    return
  }
  func.func @transform_0(%arg0: i32) -> (i32, i32) {
    %c0_i32 = arith.constant 0 : i32
    %c0_i32_0 = arith.constant 0 : i32
    return %arg0, %c0_i32 : i32, i32
  }
  func.func @transform_1(%arg0: i32) -> (i32, i32) {
    %c0_i32 = arith.constant 0 : i32
    %c0_i32_0 = arith.constant 0 : i32
    %c0_i32_1 = arith.constant 0 : i32
    return %c0_i32, %c0_i32_0 : i32, i32
  }
  func.func @transform_2(%arg0: i32) -> (i32, i32) {
    %c0_i32 = arith.constant 0 : i32
    %c0_i32_0 = arith.constant 0 : i32
    return %arg0, %c0_i32 : i32, i32
  }
}

module attributes {stable_mosaic.version = 14 : i64} {
  func.func @_prep_body(%arg0: i32, %arg1: memref<1x100x64xf32, #tpu.memory_space<vmem>>, %arg2: memref<1x100x64xf32, #tpu.memory_space<vmem>>, %arg3: memref<1x100x64xf32, #tpu.memory_space<vmem>>, %arg4: memref<1x100x8x128xf32, #tpu.memory_space<vmem>>, %arg5: memref<1x8x128xf32, #tpu.memory_space<vmem>>) attributes {dimension_semantics = [#tpu.dimension_semantics<arbitrary>], iteration_bounds = array<i64: 16>, scalar_prefetch = 0 : i64, scratch_operands = 0 : i64, tpu.core_type = #tpu.core_type<tc>, window_params = [{transform_indices = @transform_0, window_bounds = array<i64: 1, 100, 64>}, {transform_indices = @transform_1, window_bounds = array<i64: 1, 100, 64>}, {transform_indices = @transform_2, window_bounds = array<i64: 1, 100, 64>}, {transform_indices = @transform_3, window_bounds = array<i64: 1, 100, 8, 128>}, {transform_indices = @transform_4, window_bounds = array<i64: 1, 8, 128>}]} {
    %get3A = arith.constant 0 : index
    %get3A_0 = arith.constant 0 : index
    %get3A_1 = arith.constant 0 : index
    %get3A_2 = vector.load %arg1[%get3A, %get3A_0, %get3A_1] : memref<1x100x64xf32, #tpu.memory_space<vmem>>, vector<1x100x64xf32>
    %get3A_3 = vector.shape_cast %get3A_2 : vector<1x100x64xf32> to vector<100x64xf32>
    %get3A_4 = arith.constant 0 : index
    %get3A_5 = arith.constant 0 : index
    %get3A_6 = arith.constant 0 : index
    %get3A_7 = vector.load %arg2[%get3A_4, %get3A_5, %get3A_6] : memref<1x100x64xf32, #tpu.memory_space<vmem>>, vector<1x100x64xf32>
    %get3A_8 = vector.shape_cast %get3A_7 : vector<1x100x64xf32> to vector<100x64xf32>
    %iota3A = tpu.iota {dimensions = array<i32: 1>} : vector<1x100x1xi32>
    %concatenate3A = tpu.concatenate %get3A_3, %get3A_8 in 1 : vector<100x64xf32>, vector<100x64xf32> -> vector<100x128xf32>
    %broadcast_in_dim3A = vector.shape_cast %concatenate3A : vector<100x128xf32> to vector<100x1x128xf32>
    %broadcast_in_dim3A_9 = vector.shape_cast %concatenate3A : vector<100x128xf32> to vector<1x100x128xf32>
    %lt3A = vector.broadcast %broadcast_in_dim3A : vector<100x1x128xf32> to vector<100x100x128xf32>
    %lt3A_10 = vector.broadcast %broadcast_in_dim3A_9 : vector<1x100x128xf32> to vector<100x100x128xf32>
    %lt3A_11 = arith.cmpf olt, %lt3A, %lt3A_10 : vector<100x100x128xf32>
    %convert_element_type3A = arith.extui %lt3A_11 : vector<100x100x128xi1> to vector<100x100x128xi32>
    %reduce_sum3A = arith.constant dense<0> : vector<100x128xi32>
    %reduce_sum3A_12 = vector.multi_reduction <add>, %convert_element_type3A, %reduce_sum3A [0] : vector<100x100x128xi32> to vector<100x128xi32>
    %broadcast_in_dim3A_13 = vector.shape_cast %reduce_sum3A_12 : vector<100x128xi32> to vector<100x1x128xi32>
    %le3A = vector.broadcast %broadcast_in_dim3A_13 : vector<100x1x128xi32> to vector<100x100x128xi32>
    %le3A_14 = vector.broadcast %iota3A : vector<1x100x1xi32> to vector<100x100x128xi32>
    %le3A_15 = arith.cmpi sle, %le3A, %le3A_14 : vector<100x100x128xi32>
    %jit3A = arith.constant 0xFF800000 : f32
    %broadcast_in_dim3A_16 = vector.shape_cast %broadcast_in_dim3A : vector<100x1x128xf32> to vector<100x1x128xf32>
    %broadcast_in_dim3A_17 = vector.broadcast %broadcast_in_dim3A_16 : vector<100x1x128xf32> to vector<100x100x128xf32>
    %broadcast_in_dim3A_18 = vector.broadcast %jit3A : f32 to vector<100x100x128xf32>
    %select_n3A = arith.select %le3A_15, %broadcast_in_dim3A_17, %broadcast_in_dim3A_18 : vector<100x100x128xi1>, vector<100x100x128xf32>
    %reduce_max3A = arith.constant dense<0xFF800000> : vector<100x128xf32>
    %reduce_max3A_19 = vector.multi_reduction <maximumf>, %select_n3A, %reduce_max3A [0] : vector<100x100x128xf32> to vector<100x128xf32>
    %slice3A = vector.extract_strided_slice %reduce_max3A_19 {offsets = [0, 0], sizes = [100, 64], strides = [1, 1]} : vector<100x128xf32> to vector<100x64xf32>
    %slice3A_20 = vector.extract_strided_slice %reduce_max3A_19 {offsets = [0, 64], sizes = [100, 64], strides = [1, 1]} : vector<100x128xf32> to vector<100x64xf32>
    %get3A_21 = arith.constant 0 : index
    %get3A_22 = arith.constant 0 : index
    %get3A_23 = arith.constant 0 : index
    %get3A_24 = vector.load %arg3[%get3A_21, %get3A_22, %get3A_23] : memref<1x100x64xf32, #tpu.memory_space<vmem>>, vector<1x100x64xf32>
    %get3A_25 = vector.shape_cast %get3A_24 : vector<1x100x64xf32> to vector<100x64xf32>
    %max3A = arith.constant 0.000000e+00 : f32
    %max3A_26 = vector.broadcast %max3A : f32 to vector<100x64xf32>
    %max3A_27 = arith.maximumf %get3A_25, %max3A_26 : vector<100x64xf32>
    %abs3A = math.absf %get3A_25 : vector<100x64xf32>
    %neg3A = arith.constant 0.000000e+00 : f32
    %neg3A_28 = vector.broadcast %neg3A : f32 to vector<100x64xf32>
    %neg3A_29 = arith.subf %neg3A_28, %abs3A : vector<100x64xf32>
    %exp3A = math.exp %neg3A_29 : vector<100x64xf32>
    %add3A = arith.constant 1.000000e+00 : f32
    %add3A_30 = vector.broadcast %add3A : f32 to vector<100x64xf32>
    %add3A_31 = arith.addf %add3A_30, %exp3A : vector<100x64xf32>
    %log3A = math.log %add3A_31 : vector<100x64xf32>
    %add3A_32 = arith.addf %max3A_27, %log3A : vector<100x64xf32>
    %broadcast_in_dim3A_33 = arith.constant 0.000000e+00 : f32
    %broadcast_in_dim3A_34 = vector.broadcast %broadcast_in_dim3A_33 : f32 to vector<1x64xf32>
    %concatenate3A_35 = tpu.concatenate %slice3A, %slice3A in 1 : vector<100x64xf32>, vector<100x64xf32> -> vector<100x128xf32>
    %slice3A_36 = vector.extract_strided_slice %slice3A {offsets = [0, 0], sizes = [1, 64], strides = [1, 1]} : vector<100x64xf32> to vector<1x64xf32>
    %slice3A_37 = vector.extract_strided_slice %slice3A {offsets = [1, 0], sizes = [98, 64], strides = [1, 1]} : vector<100x64xf32> to vector<98x64xf32>
    %slice3A_38 = vector.extract_strided_slice %slice3A {offsets = [0, 0], sizes = [98, 64], strides = [1, 1]} : vector<100x64xf32> to vector<98x64xf32>
    %sub3A = arith.subf %slice3A_37, %slice3A_38 : vector<98x64xf32>
    %concatenate3A_39 = tpu.concatenate %slice3A_36, %sub3A, %broadcast_in_dim3A_34 in 0 : vector<1x64xf32>, vector<98x64xf32>, vector<1x64xf32> -> vector<100x64xf32>
    %concatenate3A_40 = tpu.concatenate %concatenate3A_39, %concatenate3A_39 in 1 : vector<100x64xf32>, vector<100x64xf32> -> vector<100x128xf32>
    %slice3A_41 = vector.extract_strided_slice %slice3A {offsets = [1, 0], sizes = [1, 64], strides = [1, 1]} : vector<100x64xf32> to vector<1x64xf32>
    %slice3A_42 = vector.extract_strided_slice %slice3A {offsets = [2, 0], sizes = [98, 64], strides = [1, 1]} : vector<100x64xf32> to vector<98x64xf32>
    %slice3A_43 = vector.extract_strided_slice %slice3A {offsets = [1, 0], sizes = [98, 64], strides = [1, 1]} : vector<100x64xf32> to vector<98x64xf32>
    %sub3A_44 = arith.subf %slice3A_42, %slice3A_43 : vector<98x64xf32>
    %concatenate3A_45 = tpu.concatenate %slice3A_41, %sub3A_44, %broadcast_in_dim3A_34 in 0 : vector<1x64xf32>, vector<98x64xf32>, vector<1x64xf32> -> vector<100x64xf32>
    %concatenate3A_46 = tpu.concatenate %concatenate3A_45, %concatenate3A_45 in 1 : vector<100x64xf32>, vector<100x64xf32> -> vector<100x128xf32>
    %slice3A_47 = vector.extract_strided_slice %slice3A_20 {offsets = [0, 0], sizes = [1, 64], strides = [1, 1]} : vector<100x64xf32> to vector<1x64xf32>
    %slice3A_48 = vector.extract_strided_slice %slice3A_20 {offsets = [1, 0], sizes = [98, 64], strides = [1, 1]} : vector<100x64xf32> to vector<98x64xf32>
    %slice3A_49 = vector.extract_strided_slice %slice3A_20 {offsets = [0, 0], sizes = [98, 64], strides = [1, 1]} : vector<100x64xf32> to vector<98x64xf32>
    %sub3A_50 = arith.subf %slice3A_48, %slice3A_49 : vector<98x64xf32>
    %concatenate3A_51 = tpu.concatenate %slice3A_47, %sub3A_50, %broadcast_in_dim3A_34 in 0 : vector<1x64xf32>, vector<98x64xf32>, vector<1x64xf32> -> vector<100x64xf32>
    %concatenate3A_52 = tpu.concatenate %concatenate3A_51, %concatenate3A_51 in 1 : vector<100x64xf32>, vector<100x64xf32> -> vector<100x128xf32>
    %slice3A_53 = vector.extract_strided_slice %slice3A_20 {offsets = [1, 0], sizes = [1, 64], strides = [1, 1]} : vector<100x64xf32> to vector<1x64xf32>
    %slice3A_54 = vector.extract_strided_slice %slice3A_20 {offsets = [2, 0], sizes = [98, 64], strides = [1, 1]} : vector<100x64xf32> to vector<98x64xf32>
    %slice3A_55 = vector.extract_strided_slice %slice3A_20 {offsets = [1, 0], sizes = [98, 64], strides = [1, 1]} : vector<100x64xf32> to vector<98x64xf32>
    %sub3A_56 = arith.subf %slice3A_54, %slice3A_55 : vector<98x64xf32>
    %concatenate3A_57 = tpu.concatenate %slice3A_53, %sub3A_56, %broadcast_in_dim3A_34 in 0 : vector<1x64xf32>, vector<98x64xf32>, vector<1x64xf32> -> vector<100x64xf32>
    %concatenate3A_58 = tpu.concatenate %concatenate3A_57, %concatenate3A_57 in 1 : vector<100x64xf32>, vector<100x64xf32> -> vector<100x128xf32>
    %slice3A_59 = vector.extract_strided_slice %add3A_32 {offsets = [0, 0], sizes = [1, 64], strides = [1, 1]} : vector<100x64xf32> to vector<1x64xf32>
    %slice3A_60 = vector.extract_strided_slice %add3A_32 {offsets = [1, 0], sizes = [98, 64], strides = [1, 1]} : vector<100x64xf32> to vector<98x64xf32>
    %slice3A_61 = vector.extract_strided_slice %add3A_32 {offsets = [0, 0], sizes = [98, 64], strides = [1, 1]} : vector<100x64xf32> to vector<98x64xf32>
    %sub3A_62 = arith.subf %slice3A_60, %slice3A_61 : vector<98x64xf32>
    %concatenate3A_63 = tpu.concatenate %slice3A_59, %sub3A_62, %broadcast_in_dim3A_34 in 0 : vector<1x64xf32>, vector<98x64xf32>, vector<1x64xf32> -> vector<100x64xf32>
    %concatenate3A_64 = tpu.concatenate %concatenate3A_63, %concatenate3A_63 in 1 : vector<100x64xf32>, vector<100x64xf32> -> vector<100x128xf32>
    %slice3A_65 = vector.extract_strided_slice %add3A_32 {offsets = [1, 0], sizes = [1, 64], strides = [1, 1]} : vector<100x64xf32> to vector<1x64xf32>
    %slice3A_66 = vector.extract_strided_slice %add3A_32 {offsets = [2, 0], sizes = [98, 64], strides = [1, 1]} : vector<100x64xf32> to vector<98x64xf32>
    %slice3A_67 = vector.extract_strided_slice %add3A_32 {offsets = [1, 0], sizes = [98, 64], strides = [1, 1]} : vector<100x64xf32> to vector<98x64xf32>
    %sub3A_68 = arith.subf %slice3A_66, %slice3A_67 : vector<98x64xf32>
    %concatenate3A_69 = tpu.concatenate %slice3A_65, %sub3A_68, %broadcast_in_dim3A_34 in 0 : vector<1x64xf32>, vector<98x64xf32>, vector<1x64xf32> -> vector<100x64xf32>
    %concatenate3A_70 = tpu.concatenate %concatenate3A_69, %concatenate3A_69 in 1 : vector<100x64xf32>, vector<100x64xf32> -> vector<100x128xf32>
    %broadcast_in_dim3A_71 = arith.constant 0.000000e+00 : f32
    %broadcast_in_dim3A_72 = vector.broadcast %broadcast_in_dim3A_71 : f32 to vector<100x128xf32>
    %broadcast_in_dim3A_73 = vector.shape_cast %concatenate3A_35 : vector<100x128xf32> to vector<100x1x128xf32>
    %broadcast_in_dim3A_74 = vector.shape_cast %concatenate3A_40 : vector<100x128xf32> to vector<100x1x128xf32>
    %broadcast_in_dim3A_75 = vector.shape_cast %concatenate3A_46 : vector<100x128xf32> to vector<100x1x128xf32>
    %broadcast_in_dim3A_76 = vector.shape_cast %concatenate3A_52 : vector<100x128xf32> to vector<100x1x128xf32>
    %broadcast_in_dim3A_77 = vector.shape_cast %concatenate3A_58 : vector<100x128xf32> to vector<100x1x128xf32>
    %broadcast_in_dim3A_78 = vector.shape_cast %concatenate3A_64 : vector<100x128xf32> to vector<100x1x128xf32>
    %broadcast_in_dim3A_79 = vector.shape_cast %concatenate3A_70 : vector<100x128xf32> to vector<100x1x128xf32>
    %broadcast_in_dim3A_80 = vector.shape_cast %broadcast_in_dim3A_72 : vector<100x128xf32> to vector<100x1x128xf32>
    %concatenate3A_81 = tpu.concatenate %broadcast_in_dim3A_73, %broadcast_in_dim3A_74, %broadcast_in_dim3A_75, %broadcast_in_dim3A_76, %broadcast_in_dim3A_77, %broadcast_in_dim3A_78, %broadcast_in_dim3A_79, %broadcast_in_dim3A_80 in 1 : vector<100x1x128xf32>, vector<100x1x128xf32>, vector<100x1x128xf32>, vector<100x1x128xf32>, vector<100x1x128xf32>, vector<100x1x128xf32>, vector<100x1x128xf32>, vector<100x1x128xf32> -> vector<100x8x128xf32>
    %swap3A = arith.constant 0 : index
    %swap3A_82 = arith.constant 0 : index
    %swap3A_83 = arith.constant 0 : index
    %swap3A_84 = arith.constant 0 : index
    %swap3A_85 = vector.load %arg4[%swap3A, %swap3A_82, %swap3A_83, %swap3A_84] : memref<1x100x8x128xf32, #tpu.memory_space<vmem>>, vector<1x100x8x128xf32>
    %swap3A_86 = vector.shape_cast %swap3A_85 : vector<1x100x8x128xf32> to vector<100x8x128xf32>
    %swap3A_87 = vector.shape_cast %concatenate3A_81 : vector<100x8x128xf32> to vector<1x100x8x128xf32>
    tpu.vector_store %arg4[%swap3A, %swap3A_82, %swap3A_83, %swap3A_84], %swap3A_87 {strides = array<i32>} : memref<1x100x8x128xf32, #tpu.memory_space<vmem>>, vector<1x100x8x128xf32>,
    %slice3A_88 = vector.extract_strided_slice %slice3A {offsets = [0, 0], sizes = [1, 64], strides = [1, 1]} : vector<100x64xf32> to vector<1x64xf32>
    %slice3A_89 = vector.extract_strided_slice %slice3A_20 {offsets = [0, 0], sizes = [1, 64], strides = [1, 1]} : vector<100x64xf32> to vector<1x64xf32>
    %slice3A_90 = vector.extract_strided_slice %add3A_32 {offsets = [0, 0], sizes = [1, 64], strides = [1, 1]} : vector<100x64xf32> to vector<1x64xf32>
    %slice3A_91 = vector.extract_strided_slice %slice3A {offsets = [99, 0], sizes = [1, 64], strides = [1, 1]} : vector<100x64xf32> to vector<1x64xf32>
    %slice3A_92 = vector.extract_strided_slice %slice3A_20 {offsets = [99, 0], sizes = [1, 64], strides = [1, 1]} : vector<100x64xf32> to vector<1x64xf32>
    %slice3A_93 = vector.extract_strided_slice %add3A_32 {offsets = [99, 0], sizes = [1, 64], strides = [1, 1]} : vector<100x64xf32> to vector<1x64xf32>
    %concatenate3A_94 = tpu.concatenate %slice3A_88, %slice3A_89, %slice3A_90, %slice3A_91, %slice3A_92, %slice3A_93, %broadcast_in_dim3A_34, %broadcast_in_dim3A_34 in 0 : vector<1x64xf32>, vector<1x64xf32>, vector<1x64xf32>, vector<1x64xf32>, vector<1x64xf32>, vector<1x64xf32>, vector<1x64xf32>, vector<1x64xf32> -> vector<8x64xf32>
    %concatenate3A_95 = tpu.concatenate %concatenate3A_94, %concatenate3A_94 in 1 : vector<8x64xf32>, vector<8x64xf32> -> vector<8x128xf32>
    %swap3A_96 = arith.constant 0 : index
    %swap3A_97 = arith.constant 0 : index
    %swap3A_98 = arith.constant 0 : index
    %swap3A_99 = vector.load %arg5[%swap3A_96, %swap3A_97, %swap3A_98] : memref<1x8x128xf32, #tpu.memory_space<vmem>>, vector<1x8x128xf32>
    %swap3A_100 = vector.shape_cast %swap3A_99 : vector<1x8x128xf32> to vector<8x128xf32>
    %swap3A_101 = vector.shape_cast %concatenate3A_95 : vector<8x128xf32> to vector<1x8x128xf32>
    tpu.vector_store %arg5[%swap3A_96, %swap3A_97, %swap3A_98], %swap3A_101 {strides = array<i32>} : memref<1x8x128xf32, #tpu.memory_space<vmem>>, vector<1x8x128xf32>,
    return
  }
  func.func @transform_0(%arg0: i32) -> (i32, i32, i32) {
    %c0_i32 = arith.constant 0 : i32
    %c0_i32_0 = arith.constant 0 : i32
    %c0_i32_1 = arith.constant 0 : i32
    return %arg0, %c0_i32, %c0_i32_0 : i32, i32, i32
  }
  func.func @transform_1(%arg0: i32) -> (i32, i32, i32) {
    %c0_i32 = arith.constant 0 : i32
    %c0_i32_0 = arith.constant 0 : i32
    %c0_i32_1 = arith.constant 0 : i32
    return %arg0, %c0_i32, %c0_i32_0 : i32, i32, i32
  }
  func.func @transform_2(%arg0: i32) -> (i32, i32, i32) {
    %c0_i32 = arith.constant 0 : i32
    %c0_i32_0 = arith.constant 0 : i32
    %c0_i32_1 = arith.constant 0 : i32
    return %arg0, %c0_i32, %c0_i32_0 : i32, i32, i32
  }
  func.func @transform_3(%arg0: i32) -> (i32, i32, i32, i32) {
    %c0_i32 = arith.constant 0 : i32
    %c0_i32_0 = arith.constant 0 : i32
    %c0_i32_1 = arith.constant 0 : i32
    %c0_i32_2 = arith.constant 0 : i32
    return %arg0, %c0_i32, %c0_i32_0, %c0_i32_1 : i32, i32, i32, i32
  }
  func.func @transform_4(%arg0: i32) -> (i32, i32, i32) {
    %c0_i32 = arith.constant 0 : i32
    %c0_i32_0 = arith.constant 0 : i32
    %c0_i32_1 = arith.constant 0 : i32
    return %arg0, %c0_i32, %c0_i32_0 : i32, i32, i32
  }
}

module attributes {stable_mosaic.version = 14 : i64} {
  func.func @_spline_body(%arg0: i32, %arg1: memref<17xi32, #tpu.memory_space<smem>>, %arg2: memref<64x128xf32, #tpu.memory_space<vmem>>, %arg3: memref<16x100x8x128xf32, #tpu.memory_space<vmem>>, %arg4: memref<16x8x128xf32, #tpu.memory_space<vmem>>, %arg5: memref<64x128xf32, #tpu.memory_space<vmem>>) attributes {dimension_semantics = [#tpu.dimension_semantics<arbitrary>], iteration_bounds = array<i64: 64>, scalar_prefetch = 1 : i64, scratch_operands = 0 : i64, tpu.core_type = #tpu.core_type<tc>, window_params = [{transform_indices = @transform_0, window_bounds = array<i64: 64, 128>}, {pipeline_mode = #tpu.pipeline_mode<synchronous>, transform_indices = @transform_1, window_bounds = array<i64: 16, 100, 8, 128>}, {pipeline_mode = #tpu.pipeline_mode<synchronous>, transform_indices = @transform_2, window_bounds = array<i64: 16, 8, 128>}, {transform_indices = @transform_3, window_bounds = array<i64: 64, 128>}]} {
    %get3A = arith.constant 0 : index
    %get3A_0 = arith.constant 0 : index
    %get3A_1 = vector.load %arg2[%get3A, %get3A_0] : memref<64x128xf32, #tpu.memory_space<vmem>>, vector<64x128xf32>
    %slice3A = vector.extract_strided_slice %get3A_1 {offsets = [0, 0], sizes = [32, 64], strides = [1, 1]} : vector<64x128xf32> to vector<32x64xf32>
    %slice3A_2 = vector.extract_strided_slice %get3A_1 {offsets = [32, 0], sizes = [32, 64], strides = [1, 1]} : vector<64x128xf32> to vector<32x64xf32>
    %concatenate3A = tpu.concatenate %slice3A, %slice3A_2 in 1 : vector<32x64xf32>, vector<32x64xf32> -> vector<32x128xf32>
    %mul3A = arith.constant 64 : i32
    %mul3A_3 = arith.muli %arg0, %mul3A : i32
    %add3A = arith.constant 64 : i32
    %add3A_4 = arith.addi %mul3A_3, %add3A : i32
    %iota3A = tpu.iota {dimensions = array<i32: 1>} : vector<32x128xi32>
    %ge3A = arith.constant 64 : i32
    %ge3A_5 = vector.broadcast %ge3A : i32 to vector<32x128xi32>
    %ge3A_6 = arith.cmpi sge, %iota3A, %ge3A_5 : vector<32x128xi32>
    %convert_element_type3A = arith.extui %ge3A_6 : vector<32x128xi1> to vector<32x128xi32>
    %iota3A_7 = tpu.iota {dimensions = array<i32: 0>} : vector<32x128xi32>
    %add3A_8 = vector.broadcast %mul3A_3 : i32 to vector<32x128xi32>
    %add3A_9 = arith.addi %add3A_8, %iota3A_7 : vector<32x128xi32>
    %mul3A_10 = arith.constant 32 : i32
    %mul3A_11 = vector.broadcast %mul3A_10 : i32 to vector<32x128xi32>
    %mul3A_12 = arith.muli %mul3A_11, %convert_element_type3A : vector<32x128xi32>
    %add3A_13 = arith.addi %add3A_9, %mul3A_12 : vector<32x128xi32>
    %broadcast_in_dim3A = arith.constant 0.000000e+00 : f32
    %broadcast_in_dim3A_14 = vector.broadcast %broadcast_in_dim3A : f32 to vector<32x128xf32>
    %scan3A = arith.constant 0 : i32
    %scan3A_15 = arith.constant 16 : i32
    %scan3A_16 = arith.addi %scan3A, %scan3A_15 : i32
    %scan3A_17 = arith.constant 1 : i32
    %scan3A_18:2 = scf.for %scan3A_38 = %scan3A to %scan3A_16 step %scan3A_17 iter_args(%scan3A_39 = %broadcast_in_dim3A_14, %scan3A_40 = %broadcast_in_dim3A_14) -> (vector<32x128xf32>, vector<32x128xf32>)  : i32 {
      %get3A_41 = arith.index_cast %scan3A_38 : i32 to index
      %get3A_42 = memref.load %arg1[%get3A_41] : memref<17xi32, #tpu.memory_space<smem>>
      %add3A_43 = arith.constant 1 : i32
      %add3A_44 = arith.addi %scan3A_38, %add3A_43 : i32
      %get3A_45 = arith.index_cast %add3A_44 : i32 to index
      %get3A_46 = memref.load %arg1[%get3A_45] : memref<17xi32, #tpu.memory_space<smem>>
      %gt3A = arith.cmpi sgt, %get3A_46, %mul3A_3 : i32
      %lt3A = arith.cmpi slt, %get3A_42, %add3A_4 : i32
      %and3A = arith.andi %gt3A, %lt3A : i1
      %convert_element_type3A_47 = arith.extui %and3A : i1 to i32
      %cond3A = arith.constant 0 : i32
      %cond3A_48 = arith.cmpi ne, %convert_element_type3A_47, %cond3A : i32
      %cond3A_49:2 = scf.if %cond3A_48 -> (vector<32x128xf32>, vector<32x128xf32>) {
        %scan3A_50 = arith.constant 0 : i32
        %scan3A_51 = arith.constant 16 : i32
        %scan3A_52 = arith.addi %scan3A_50, %scan3A_51 : i32
        %scan3A_53 = arith.constant 1 : i32
        %scan3A_54:6 = scf.for %scan3A_244 = %scan3A_50 to %scan3A_52 step %scan3A_53 iter_args(%scan3A_245 = %broadcast_in_dim3A_14, %scan3A_246 = %broadcast_in_dim3A_14, %scan3A_247 = %broadcast_in_dim3A_14, %scan3A_248 = %broadcast_in_dim3A_14, %scan3A_249 = %broadcast_in_dim3A_14, %scan3A_250 = %broadcast_in_dim3A_14) -> (vector<32x128xf32>, vector<32x128xf32>, vector<32x128xf32>, vector<32x128xf32>, vector<32x128xf32>, vector<32x128xf32>)  : i32 {
          %mul3A_251 = arith.constant 6 : i32
          %mul3A_252 = arith.muli %mul3A_251, %scan3A_244 : i32
          %add3A_253 = arith.constant 0 : i32
          %add3A_254 = arith.addi %mul3A_252, %add3A_253 : i32
          %get3A_255 = arith.index_cast %scan3A_38 : i32 to index
          %get3A_256 = arith.index_cast %add3A_254 : i32 to index
          %get3A_257 = arith.constant 0 : index
          %get3A_258 = arith.constant 0 : index
          %get3A_259 = vector.load %arg3[%get3A_255, %get3A_256, %get3A_257, %get3A_258] : memref<16x100x8x128xf32, #tpu.memory_space<vmem>>, vector<1x1x8x128xf32>
          %get3A_260 = vector.shape_cast %get3A_259 : vector<1x1x8x128xf32> to vector<8x128xf32>
          %slice3A_261 = vector.extract_strided_slice %get3A_260 {offsets = [0, 0], sizes = [1, 128], strides = [1, 1]} : vector<8x128xf32> to vector<1x128xf32>
          %gt3A_262 = vector.broadcast %slice3A_261 : vector<1x128xf32> to vector<32x128xf32>
          %gt3A_263 = arith.cmpf ogt, %concatenate3A, %gt3A_262 : vector<32x128xf32>
          %convert_element_type3A_264 = arith.extui %gt3A_263 : vector<32x128xi1> to vector<32x128xi32>
          %convert_element_type3A_265 = arith.sitofp %convert_element_type3A_264 : vector<32x128xi32> to vector<32x128xf32>
          %slice3A_266 = vector.extract_strided_slice %get3A_260 {offsets = [1, 0], sizes = [1, 128], strides = [1, 1]} : vector<8x128xf32> to vector<1x128xf32>
          %mul3A_267 = vector.broadcast %slice3A_266 : vector<1x128xf32> to vector<32x128xf32>
          %mul3A_268 = arith.mulf %mul3A_267, %convert_element_type3A_265 : vector<32x128xf32>
          %add3A_269 = arith.addf %scan3A_245, %mul3A_268 : vector<32x128xf32>
          %slice3A_270 = vector.extract_strided_slice %get3A_260 {offsets = [2, 0], sizes = [1, 128], strides = [1, 1]} : vector<8x128xf32> to vector<1x128xf32>
          %mul3A_271 = vector.broadcast %slice3A_270 : vector<1x128xf32> to vector<32x128xf32>
          %mul3A_272 = arith.mulf %mul3A_271, %convert_element_type3A_265 : vector<32x128xf32>
          %add3A_273 = arith.addf %scan3A_246, %mul3A_272 : vector<32x128xf32>
          %slice3A_274 = vector.extract_strided_slice %get3A_260 {offsets = [3, 0], sizes = [1, 128], strides = [1, 1]} : vector<8x128xf32> to vector<1x128xf32>
          %mul3A_275 = vector.broadcast %slice3A_274 : vector<1x128xf32> to vector<32x128xf32>
          %mul3A_276 = arith.mulf %mul3A_275, %convert_element_type3A_265 : vector<32x128xf32>
          %add3A_277 = arith.addf %scan3A_247, %mul3A_276 : vector<32x128xf32>
          %slice3A_278 = vector.extract_strided_slice %get3A_260 {offsets = [4, 0], sizes = [1, 128], strides = [1, 1]} : vector<8x128xf32> to vector<1x128xf32>
          %mul3A_279 = vector.broadcast %slice3A_278 : vector<1x128xf32> to vector<32x128xf32>
          %mul3A_280 = arith.mulf %mul3A_279, %convert_element_type3A_265 : vector<32x128xf32>
          %add3A_281 = arith.addf %scan3A_248, %mul3A_280 : vector<32x128xf32>
          %slice3A_282 = vector.extract_strided_slice %get3A_260 {offsets = [5, 0], sizes = [1, 128], strides = [1, 1]} : vector<8x128xf32> to vector<1x128xf32>
          %mul3A_283 = vector.broadcast %slice3A_282 : vector<1x128xf32> to vector<32x128xf32>
          %mul3A_284 = arith.mulf %mul3A_283, %convert_element_type3A_265 : vector<32x128xf32>
          %add3A_285 = arith.addf %scan3A_249, %mul3A_284 : vector<32x128xf32>
          %slice3A_286 = vector.extract_strided_slice %get3A_260 {offsets = [6, 0], sizes = [1, 128], strides = [1, 1]} : vector<8x128xf32> to vector<1x128xf32>
          %mul3A_287 = vector.broadcast %slice3A_286 : vector<1x128xf32> to vector<32x128xf32>
          %mul3A_288 = arith.mulf %mul3A_287, %convert_element_type3A_265 : vector<32x128xf32>
          %add3A_289 = arith.addf %scan3A_250, %mul3A_288 : vector<32x128xf32>
          %add3A_290 = arith.constant 1 : i32
          %add3A_291 = arith.addi %mul3A_252, %add3A_290 : i32
          %get3A_292 = arith.index_cast %scan3A_38 : i32 to index
          %get3A_293 = arith.index_cast %add3A_291 : i32 to index
          %get3A_294 = arith.constant 0 : index
          %get3A_295 = arith.constant 0 : index
          %get3A_296 = vector.load %arg3[%get3A_292, %get3A_293, %get3A_294, %get3A_295] : memref<16x100x8x128xf32, #tpu.memory_space<vmem>>, vector<1x1x8x128xf32>
          %get3A_297 = vector.shape_cast %get3A_296 : vector<1x1x8x128xf32> to vector<8x128xf32>
          %slice3A_298 = vector.extract_strided_slice %get3A_297 {offsets = [0, 0], sizes = [1, 128], strides = [1, 1]} : vector<8x128xf32> to vector<1x128xf32>
          %gt3A_299 = vector.broadcast %slice3A_298 : vector<1x128xf32> to vector<32x128xf32>
          %gt3A_300 = arith.cmpf ogt, %concatenate3A, %gt3A_299 : vector<32x128xf32>
          %convert_element_type3A_301 = arith.extui %gt3A_300 : vector<32x128xi1> to vector<32x128xi32>
          %convert_element_type3A_302 = arith.sitofp %convert_element_type3A_301 : vector<32x128xi32> to vector<32x128xf32>
          %slice3A_303 = vector.extract_strided_slice %get3A_297 {offsets = [1, 0], sizes = [1, 128], strides = [1, 1]} : vector<8x128xf32> to vector<1x128xf32>
          %mul3A_304 = vector.broadcast %slice3A_303 : vector<1x128xf32> to vector<32x128xf32>
          %mul3A_305 = arith.mulf %mul3A_304, %convert_element_type3A_302 : vector<32x128xf32>
          %add3A_306 = arith.addf %add3A_269, %mul3A_305 : vector<32x128xf32>
          %slice3A_307 = vector.extract_strided_slice %get3A_297 {offsets = [2, 0], sizes = [1, 128], strides = [1, 1]} : vector<8x128xf32> to vector<1x128xf32>
          %mul3A_308 = vector.broadcast %slice3A_307 : vector<1x128xf32> to vector<32x128xf32>
          %mul3A_309 = arith.mulf %mul3A_308, %convert_element_type3A_302 : vector<32x128xf32>
          %add3A_310 = arith.addf %add3A_273, %mul3A_309 : vector<32x128xf32>
          %slice3A_311 = vector.extract_strided_slice %get3A_297 {offsets = [3, 0], sizes = [1, 128], strides = [1, 1]} : vector<8x128xf32> to vector<1x128xf32>
          %mul3A_312 = vector.broadcast %slice3A_311 : vector<1x128xf32> to vector<32x128xf32>
          %mul3A_313 = arith.mulf %mul3A_312, %convert_element_type3A_302 : vector<32x128xf32>
          %add3A_314 = arith.addf %add3A_277, %mul3A_313 : vector<32x128xf32>
          %slice3A_315 = vector.extract_strided_slice %get3A_297 {offsets = [4, 0], sizes = [1, 128], strides = [1, 1]} : vector<8x128xf32> to vector<1x128xf32>
          %mul3A_316 = vector.broadcast %slice3A_315 : vector<1x128xf32> to vector<32x128xf32>
          %mul3A_317 = arith.mulf %mul3A_316, %convert_element_type3A_302 : vector<32x128xf32>
          %add3A_318 = arith.addf %add3A_281, %mul3A_317 : vector<32x128xf32>
          %slice3A_319 = vector.extract_strided_slice %get3A_297 {offsets = [5, 0], sizes = [1, 128], strides = [1, 1]} : vector<8x128xf32> to vector<1x128xf32>
          %mul3A_320 = vector.broadcast %slice3A_319 : vector<1x128xf32> to vector<32x128xf32>
          %mul3A_321 = arith.mulf %mul3A_320, %convert_element_type3A_302 : vector<32x128xf32>
          %add3A_322 = arith.addf %add3A_285, %mul3A_321 : vector<32x128xf32>
          %slice3A_323 = vector.extract_strided_slice %get3A_297 {offsets = [6, 0], sizes = [1, 128], strides = [1, 1]} : vector<8x128xf32> to vector<1x128xf32>
          %mul3A_324 = vector.broadcast %slice3A_323 : vector<1x128xf32> to vector<32x128xf32>
          %mul3A_325 = arith.mulf %mul3A_324, %convert_element_type3A_302 : vector<32x128xf32>
          %add3A_326 = arith.addf %add3A_289, %mul3A_325 : vector<32x128xf32>
          %add3A_327 = arith.constant 2 : i32
          %add3A_328 = arith.addi %mul3A_252, %add3A_327 : i32
          %get3A_329 = arith.index_cast %scan3A_38 : i32 to index
          %get3A_330 = arith.index_cast %add3A_328 : i32 to index
          %get3A_331 = arith.constant 0 : index
          %get3A_332 = arith.constant 0 : index
          %get3A_333 = vector.load %arg3[%get3A_329, %get3A_330, %get3A_331, %get3A_332] : memref<16x100x8x128xf32, #tpu.memory_space<vmem>>, vector<1x1x8x128xf32>
          %get3A_334 = vector.shape_cast %get3A_333 : vector<1x1x8x128xf32> to vector<8x128xf32>
          %slice3A_335 = vector.extract_strided_slice %get3A_334 {offsets = [0, 0], sizes = [1, 128], strides = [1, 1]} : vector<8x128xf32> to vector<1x128xf32>
          %gt3A_336 = vector.broadcast %slice3A_335 : vector<1x128xf32> to vector<32x128xf32>
          %gt3A_337 = arith.cmpf ogt, %concatenate3A, %gt3A_336 : vector<32x128xf32>
          %convert_element_type3A_338 = arith.extui %gt3A_337 : vector<32x128xi1> to vector<32x128xi32>
          %convert_element_type3A_339 = arith.sitofp %convert_element_type3A_338 : vector<32x128xi32> to vector<32x128xf32>
          %slice3A_340 = vector.extract_strided_slice %get3A_334 {offsets = [1, 0], sizes = [1, 128], strides = [1, 1]} : vector<8x128xf32> to vector<1x128xf32>
          %mul3A_341 = vector.broadcast %slice3A_340 : vector<1x128xf32> to vector<32x128xf32>
          %mul3A_342 = arith.mulf %mul3A_341, %convert_element_type3A_339 : vector<32x128xf32>
          %add3A_343 = arith.addf %add3A_306, %mul3A_342 : vector<32x128xf32>
          %slice3A_344 = vector.extract_strided_slice %get3A_334 {offsets = [2, 0], sizes = [1, 128], strides = [1, 1]} : vector<8x128xf32> to vector<1x128xf32>
          %mul3A_345 = vector.broadcast %slice3A_344 : vector<1x128xf32> to vector<32x128xf32>
          %mul3A_346 = arith.mulf %mul3A_345, %convert_element_type3A_339 : vector<32x128xf32>
          %add3A_347 = arith.addf %add3A_310, %mul3A_346 : vector<32x128xf32>
          %slice3A_348 = vector.extract_strided_slice %get3A_334 {offsets = [3, 0], sizes = [1, 128], strides = [1, 1]} : vector<8x128xf32> to vector<1x128xf32>
          %mul3A_349 = vector.broadcast %slice3A_348 : vector<1x128xf32> to vector<32x128xf32>
          %mul3A_350 = arith.mulf %mul3A_349, %convert_element_type3A_339 : vector<32x128xf32>
          %add3A_351 = arith.addf %add3A_314, %mul3A_350 : vector<32x128xf32>
          %slice3A_352 = vector.extract_strided_slice %get3A_334 {offsets = [4, 0], sizes = [1, 128], strides = [1, 1]} : vector<8x128xf32> to vector<1x128xf32>
          %mul3A_353 = vector.broadcast %slice3A_352 : vector<1x128xf32> to vector<32x128xf32>
          %mul3A_354 = arith.mulf %mul3A_353, %convert_element_type3A_339 : vector<32x128xf32>
          %add3A_355 = arith.addf %add3A_318, %mul3A_354 : vector<32x128xf32>
          %slice3A_356 = vector.extract_strided_slice %get3A_334 {offsets = [5, 0], sizes = [1, 128], strides = [1, 1]} : vector<8x128xf32> to vector<1x128xf32>
          %mul3A_357 = vector.broadcast %slice3A_356 : vector<1x128xf32> to vector<32x128xf32>
          %mul3A_358 = arith.mulf %mul3A_357, %convert_element_type3A_339 : vector<32x128xf32>
          %add3A_359 = arith.addf %add3A_322, %mul3A_358 : vector<32x128xf32>
          %slice3A_360 = vector.extract_strided_slice %get3A_334 {offsets = [6, 0], sizes = [1, 128], strides = [1, 1]} : vector<8x128xf32> to vector<1x128xf32>
          %mul3A_361 = vector.broadcast %slice3A_360 : vector<1x128xf32> to vector<32x128xf32>
          %mul3A_362 = arith.mulf %mul3A_361, %convert_element_type3A_339 : vector<32x128xf32>
          %add3A_363 = arith.addf %add3A_326, %mul3A_362 : vector<32x128xf32>
          %add3A_364 = arith.constant 3 : i32
          %add3A_365 = arith.addi %mul3A_252, %add3A_364 : i32
          %get3A_366 = arith.index_cast %scan3A_38 : i32 to index
          %get3A_367 = arith.index_cast %add3A_365 : i32 to index
          %get3A_368 = arith.constant 0 : index
          %get3A_369 = arith.constant 0 : index
          %get3A_370 = vector.load %arg3[%get3A_366, %get3A_367, %get3A_368, %get3A_369] : memref<16x100x8x128xf32, #tpu.memory_space<vmem>>, vector<1x1x8x128xf32>
          %get3A_371 = vector.shape_cast %get3A_370 : vector<1x1x8x128xf32> to vector<8x128xf32>
          %slice3A_372 = vector.extract_strided_slice %get3A_371 {offsets = [0, 0], sizes = [1, 128], strides = [1, 1]} : vector<8x128xf32> to vector<1x128xf32>
          %gt3A_373 = vector.broadcast %slice3A_372 : vector<1x128xf32> to vector<32x128xf32>
          %gt3A_374 = arith.cmpf ogt, %concatenate3A, %gt3A_373 : vector<32x128xf32>
          %convert_element_type3A_375 = arith.extui %gt3A_374 : vector<32x128xi1> to vector<32x128xi32>
          %convert_element_type3A_376 = arith.sitofp %convert_element_type3A_375 : vector<32x128xi32> to vector<32x128xf32>
          %slice3A_377 = vector.extract_strided_slice %get3A_371 {offsets = [1, 0], sizes = [1, 128], strides = [1, 1]} : vector<8x128xf32> to vector<1x128xf32>
          %mul3A_378 = vector.broadcast %slice3A_377 : vector<1x128xf32> to vector<32x128xf32>
          %mul3A_379 = arith.mulf %mul3A_378, %convert_element_type3A_376 : vector<32x128xf32>
          %add3A_380 = arith.addf %add3A_343, %mul3A_379 : vector<32x128xf32>
          %slice3A_381 = vector.extract_strided_slice %get3A_371 {offsets = [2, 0], sizes = [1, 128], strides = [1, 1]} : vector<8x128xf32> to vector<1x128xf32>
          %mul3A_382 = vector.broadcast %slice3A_381 : vector<1x128xf32> to vector<32x128xf32>
          %mul3A_383 = arith.mulf %mul3A_382, %convert_element_type3A_376 : vector<32x128xf32>
          %add3A_384 = arith.addf %add3A_347, %mul3A_383 : vector<32x128xf32>
          %slice3A_385 = vector.extract_strided_slice %get3A_371 {offsets = [3, 0], sizes = [1, 128], strides = [1, 1]} : vector<8x128xf32> to vector<1x128xf32>
          %mul3A_386 = vector.broadcast %slice3A_385 : vector<1x128xf32> to vector<32x128xf32>
          %mul3A_387 = arith.mulf %mul3A_386, %convert_element_type3A_376 : vector<32x128xf32>
          %add3A_388 = arith.addf %add3A_351, %mul3A_387 : vector<32x128xf32>
          %slice3A_389 = vector.extract_strided_slice %get3A_371 {offsets = [4, 0], sizes = [1, 128], strides = [1, 1]} : vector<8x128xf32> to vector<1x128xf32>
          %mul3A_390 = vector.broadcast %slice3A_389 : vector<1x128xf32> to vector<32x128xf32>
          %mul3A_391 = arith.mulf %mul3A_390, %convert_element_type3A_376 : vector<32x128xf32>
          %add3A_392 = arith.addf %add3A_355, %mul3A_391 : vector<32x128xf32>
          %slice3A_393 = vector.extract_strided_slice %get3A_371 {offsets = [5, 0], sizes = [1, 128], strides = [1, 1]} : vector<8x128xf32> to vector<1x128xf32>
          %mul3A_394 = vector.broadcast %slice3A_393 : vector<1x128xf32> to vector<32x128xf32>
          %mul3A_395 = arith.mulf %mul3A_394, %convert_element_type3A_376 : vector<32x128xf32>
          %add3A_396 = arith.addf %add3A_359, %mul3A_395 : vector<32x128xf32>
          %slice3A_397 = vector.extract_strided_slice %get3A_371 {offsets = [6, 0], sizes = [1, 128], strides = [1, 1]} : vector<8x128xf32> to vector<1x128xf32>
          %mul3A_398 = vector.broadcast %slice3A_397 : vector<1x128xf32> to vector<32x128xf32>
          %mul3A_399 = arith.mulf %mul3A_398, %convert_element_type3A_376 : vector<32x128xf32>
          %add3A_400 = arith.addf %add3A_363, %mul3A_399 : vector<32x128xf32>
          %add3A_401 = arith.constant 4 : i32
          %add3A_402 = arith.addi %mul3A_252, %add3A_401 : i32
          %get3A_403 = arith.index_cast %scan3A_38 : i32 to index
          %get3A_404 = arith.index_cast %add3A_402 : i32 to index
          %get3A_405 = arith.constant 0 : index
          %get3A_406 = arith.constant 0 : index
          %get3A_407 = vector.load %arg3[%get3A_403, %get3A_404, %get3A_405, %get3A_406] : memref<16x100x8x128xf32, #tpu.memory_space<vmem>>, vector<1x1x8x128xf32>
          %get3A_408 = vector.shape_cast %get3A_407 : vector<1x1x8x128xf32> to vector<8x128xf32>
          %slice3A_409 = vector.extract_strided_slice %get3A_408 {offsets = [0, 0], sizes = [1, 128], strides = [1, 1]} : vector<8x128xf32> to vector<1x128xf32>
          %gt3A_410 = vector.broadcast %slice3A_409 : vector<1x128xf32> to vector<32x128xf32>
          %gt3A_411 = arith.cmpf ogt, %concatenate3A, %gt3A_410 : vector<32x128xf32>
          %convert_element_type3A_412 = arith.extui %gt3A_411 : vector<32x128xi1> to vector<32x128xi32>
          %convert_element_type3A_413 = arith.sitofp %convert_element_type3A_412 : vector<32x128xi32> to vector<32x128xf32>
          %slice3A_414 = vector.extract_strided_slice %get3A_408 {offsets = [1, 0], sizes = [1, 128], strides = [1, 1]} : vector<8x128xf32> to vector<1x128xf32>
          %mul3A_415 = vector.broadcast %slice3A_414 : vector<1x128xf32> to vector<32x128xf32>
          %mul3A_416 = arith.mulf %mul3A_415, %convert_element_type3A_413 : vector<32x128xf32>
          %add3A_417 = arith.addf %add3A_380, %mul3A_416 : vector<32x128xf32>
          %slice3A_418 = vector.extract_strided_slice %get3A_408 {offsets = [2, 0], sizes = [1, 128], strides = [1, 1]} : vector<8x128xf32> to vector<1x128xf32>
          %mul3A_419 = vector.broadcast %slice3A_418 : vector<1x128xf32> to vector<32x128xf32>
          %mul3A_420 = arith.mulf %mul3A_419, %convert_element_type3A_413 : vector<32x128xf32>
          %add3A_421 = arith.addf %add3A_384, %mul3A_420 : vector<32x128xf32>
          %slice3A_422 = vector.extract_strided_slice %get3A_408 {offsets = [3, 0], sizes = [1, 128], strides = [1, 1]} : vector<8x128xf32> to vector<1x128xf32>
          %mul3A_423 = vector.broadcast %slice3A_422 : vector<1x128xf32> to vector<32x128xf32>
          %mul3A_424 = arith.mulf %mul3A_423, %convert_element_type3A_413 : vector<32x128xf32>
          %add3A_425 = arith.addf %add3A_388, %mul3A_424 : vector<32x128xf32>
          %slice3A_426 = vector.extract_strided_slice %get3A_408 {offsets = [4, 0], sizes = [1, 128], strides = [1, 1]} : vector<8x128xf32> to vector<1x128xf32>
          %mul3A_427 = vector.broadcast %slice3A_426 : vector<1x128xf32> to vector<32x128xf32>
          %mul3A_428 = arith.mulf %mul3A_427, %convert_element_type3A_413 : vector<32x128xf32>
          %add3A_429 = arith.addf %add3A_392, %mul3A_428 : vector<32x128xf32>
          %slice3A_430 = vector.extract_strided_slice %get3A_408 {offsets = [5, 0], sizes = [1, 128], strides = [1, 1]} : vector<8x128xf32> to vector<1x128xf32>
          %mul3A_431 = vector.broadcast %slice3A_430 : vector<1x128xf32> to vector<32x128xf32>
          %mul3A_432 = arith.mulf %mul3A_431, %convert_element_type3A_413 : vector<32x128xf32>
          %add3A_433 = arith.addf %add3A_396, %mul3A_432 : vector<32x128xf32>
          %slice3A_434 = vector.extract_strided_slice %get3A_408 {offsets = [6, 0], sizes = [1, 128], strides = [1, 1]} : vector<8x128xf32> to vector<1x128xf32>
          %mul3A_435 = vector.broadcast %slice3A_434 : vector<1x128xf32> to vector<32x128xf32>
          %mul3A_436 = arith.mulf %mul3A_435, %convert_element_type3A_413 : vector<32x128xf32>
          %add3A_437 = arith.addf %add3A_400, %mul3A_436 : vector<32x128xf32>
          %add3A_438 = arith.constant 5 : i32
          %add3A_439 = arith.addi %mul3A_252, %add3A_438 : i32
          %get3A_440 = arith.index_cast %scan3A_38 : i32 to index
          %get3A_441 = arith.index_cast %add3A_439 : i32 to index
          %get3A_442 = arith.constant 0 : index
          %get3A_443 = arith.constant 0 : index
          %get3A_444 = vector.load %arg3[%get3A_440, %get3A_441, %get3A_442, %get3A_443] : memref<16x100x8x128xf32, #tpu.memory_space<vmem>>, vector<1x1x8x128xf32>
          %get3A_445 = vector.shape_cast %get3A_444 : vector<1x1x8x128xf32> to vector<8x128xf32>
          %slice3A_446 = vector.extract_strided_slice %get3A_445 {offsets = [0, 0], sizes = [1, 128], strides = [1, 1]} : vector<8x128xf32> to vector<1x128xf32>
          %gt3A_447 = vector.broadcast %slice3A_446 : vector<1x128xf32> to vector<32x128xf32>
          %gt3A_448 = arith.cmpf ogt, %concatenate3A, %gt3A_447 : vector<32x128xf32>
          %convert_element_type3A_449 = arith.extui %gt3A_448 : vector<32x128xi1> to vector<32x128xi32>
          %convert_element_type3A_450 = arith.sitofp %convert_element_type3A_449 : vector<32x128xi32> to vector<32x128xf32>
          %slice3A_451 = vector.extract_strided_slice %get3A_445 {offsets = [1, 0], sizes = [1, 128], strides = [1, 1]} : vector<8x128xf32> to vector<1x128xf32>
          %mul3A_452 = vector.broadcast %slice3A_451 : vector<1x128xf32> to vector<32x128xf32>
          %mul3A_453 = arith.mulf %mul3A_452, %convert_element_type3A_450 : vector<32x128xf32>
          %add3A_454 = arith.addf %add3A_417, %mul3A_453 : vector<32x128xf32>
          %slice3A_455 = vector.extract_strided_slice %get3A_445 {offsets = [2, 0], sizes = [1, 128], strides = [1, 1]} : vector<8x128xf32> to vector<1x128xf32>
          %mul3A_456 = vector.broadcast %slice3A_455 : vector<1x128xf32> to vector<32x128xf32>
          %mul3A_457 = arith.mulf %mul3A_456, %convert_element_type3A_450 : vector<32x128xf32>
          %add3A_458 = arith.addf %add3A_421, %mul3A_457 : vector<32x128xf32>
          %slice3A_459 = vector.extract_strided_slice %get3A_445 {offsets = [3, 0], sizes = [1, 128], strides = [1, 1]} : vector<8x128xf32> to vector<1x128xf32>
          %mul3A_460 = vector.broadcast %slice3A_459 : vector<1x128xf32> to vector<32x128xf32>
          %mul3A_461 = arith.mulf %mul3A_460, %convert_element_type3A_450 : vector<32x128xf32>
          %add3A_462 = arith.addf %add3A_425, %mul3A_461 : vector<32x128xf32>
          %slice3A_463 = vector.extract_strided_slice %get3A_445 {offsets = [4, 0], sizes = [1, 128], strides = [1, 1]} : vector<8x128xf32> to vector<1x128xf32>
          %mul3A_464 = vector.broadcast %slice3A_463 : vector<1x128xf32> to vector<32x128xf32>
          %mul3A_465 = arith.mulf %mul3A_464, %convert_element_type3A_450 : vector<32x128xf32>
          %add3A_466 = arith.addf %add3A_429, %mul3A_465 : vector<32x128xf32>
          %slice3A_467 = vector.extract_strided_slice %get3A_445 {offsets = [5, 0], sizes = [1, 128], strides = [1, 1]} : vector<8x128xf32> to vector<1x128xf32>
          %mul3A_468 = vector.broadcast %slice3A_467 : vector<1x128xf32> to vector<32x128xf32>
          %mul3A_469 = arith.mulf %mul3A_468, %convert_element_type3A_450 : vector<32x128xf32>
          %add3A_470 = arith.addf %add3A_433, %mul3A_469 : vector<32x128xf32>
          %slice3A_471 = vector.extract_strided_slice %get3A_445 {offsets = [6, 0], sizes = [1, 128], strides = [1, 1]} : vector<8x128xf32> to vector<1x128xf32>
          %mul3A_472 = vector.broadcast %slice3A_471 : vector<1x128xf32> to vector<32x128xf32>
          %mul3A_473 = arith.mulf %mul3A_472, %convert_element_type3A_450 : vector<32x128xf32>
          %add3A_474 = arith.addf %add3A_437, %mul3A_473 : vector<32x128xf32>
          scf.yield %add3A_454, %add3A_458, %add3A_462, %add3A_466, %add3A_470, %add3A_474 : vector<32x128xf32>, vector<32x128xf32>, vector<32x128xf32>, vector<32x128xf32>, vector<32x128xf32>, vector<32x128xf32>
        }
        %scan3A_55 = arith.constant 16 : i32
        %get3A_56 = arith.index_cast %scan3A_38 : i32 to index
        %get3A_57 = arith.constant 96 : index
        %get3A_58 = arith.constant 0 : index
        %get3A_59 = arith.constant 0 : index
        %get3A_60 = vector.load %arg3[%get3A_56, %get3A_57, %get3A_58, %get3A_59] : memref<16x100x8x128xf32, #tpu.memory_space<vmem>>, vector<1x1x8x128xf32>
        %get3A_61 = vector.shape_cast %get3A_60 : vector<1x1x8x128xf32> to vector<8x128xf32>
        %slice3A_62 = vector.extract_strided_slice %get3A_61 {offsets = [0, 0], sizes = [1, 128], strides = [1, 1]} : vector<8x128xf32> to vector<1x128xf32>
        %gt3A_63 = vector.broadcast %slice3A_62 : vector<1x128xf32> to vector<32x128xf32>
        %gt3A_64 = arith.cmpf ogt, %concatenate3A, %gt3A_63 : vector<32x128xf32>
        %convert_element_type3A_65 = arith.extui %gt3A_64 : vector<32x128xi1> to vector<32x128xi32>
        %convert_element_type3A_66 = arith.sitofp %convert_element_type3A_65 : vector<32x128xi32> to vector<32x128xf32>
        %slice3A_67 = vector.extract_strided_slice %get3A_61 {offsets = [1, 0], sizes = [1, 128], strides = [1, 1]} : vector<8x128xf32> to vector<1x128xf32>
        %mul3A_68 = vector.broadcast %slice3A_67 : vector<1x128xf32> to vector<32x128xf32>
        %mul3A_69 = arith.mulf %mul3A_68, %convert_element_type3A_66 : vector<32x128xf32>
        %add3A_70 = arith.addf %scan3A_54#0, %mul3A_69 : vector<32x128xf32>
        %slice3A_71 = vector.extract_strided_slice %get3A_61 {offsets = [2, 0], sizes = [1, 128], strides = [1, 1]} : vector<8x128xf32> to vector<1x128xf32>
        %mul3A_72 = vector.broadcast %slice3A_71 : vector<1x128xf32> to vector<32x128xf32>
        %mul3A_73 = arith.mulf %mul3A_72, %convert_element_type3A_66 : vector<32x128xf32>
        %add3A_74 = arith.addf %scan3A_54#1, %mul3A_73 : vector<32x128xf32>
        %slice3A_75 = vector.extract_strided_slice %get3A_61 {offsets = [3, 0], sizes = [1, 128], strides = [1, 1]} : vector<8x128xf32> to vector<1x128xf32>
        %mul3A_76 = vector.broadcast %slice3A_75 : vector<1x128xf32> to vector<32x128xf32>
        %mul3A_77 = arith.mulf %mul3A_76, %convert_element_type3A_66 : vector<32x128xf32>
        %add3A_78 = arith.addf %scan3A_54#2, %mul3A_77 : vector<32x128xf32>
        %slice3A_79 = vector.extract_strided_slice %get3A_61 {offsets = [4, 0], sizes = [1, 128], strides = [1, 1]} : vector<8x128xf32> to vector<1x128xf32>
        %mul3A_80 = vector.broadcast %slice3A_79 : vector<1x128xf32> to vector<32x128xf32>
        %mul3A_81 = arith.mulf %mul3A_80, %convert_element_type3A_66 : vector<32x128xf32>
        %add3A_82 = arith.addf %scan3A_54#3, %mul3A_81 : vector<32x128xf32>
        %slice3A_83 = vector.extract_strided_slice %get3A_61 {offsets = [5, 0], sizes = [1, 128], strides = [1, 1]} : vector<8x128xf32> to vector<1x128xf32>
        %mul3A_84 = vector.broadcast %slice3A_83 : vector<1x128xf32> to vector<32x128xf32>
        %mul3A_85 = arith.mulf %mul3A_84, %convert_element_type3A_66 : vector<32x128xf32>
        %add3A_86 = arith.addf %scan3A_54#4, %mul3A_85 : vector<32x128xf32>
        %slice3A_87 = vector.extract_strided_slice %get3A_61 {offsets = [6, 0], sizes = [1, 128], strides = [1, 1]} : vector<8x128xf32> to vector<1x128xf32>
        %mul3A_88 = vector.broadcast %slice3A_87 : vector<1x128xf32> to vector<32x128xf32>
        %mul3A_89 = arith.mulf %mul3A_88, %convert_element_type3A_66 : vector<32x128xf32>
        %add3A_90 = arith.addf %scan3A_54#5, %mul3A_89 : vector<32x128xf32>
        %get3A_91 = arith.index_cast %scan3A_38 : i32 to index
        %get3A_92 = arith.constant 97 : index
        %get3A_93 = arith.constant 0 : index
        %get3A_94 = arith.constant 0 : index
        %get3A_95 = vector.load %arg3[%get3A_91, %get3A_92, %get3A_93, %get3A_94] : memref<16x100x8x128xf32, #tpu.memory_space<vmem>>, vector<1x1x8x128xf32>
        %get3A_96 = vector.shape_cast %get3A_95 : vector<1x1x8x128xf32> to vector<8x128xf32>
        %slice3A_97 = vector.extract_strided_slice %get3A_96 {offsets = [0, 0], sizes = [1, 128], strides = [1, 1]} : vector<8x128xf32> to vector<1x128xf32>
        %gt3A_98 = vector.broadcast %slice3A_97 : vector<1x128xf32> to vector<32x128xf32>
        %gt3A_99 = arith.cmpf ogt, %concatenate3A, %gt3A_98 : vector<32x128xf32>
        %convert_element_type3A_100 = arith.extui %gt3A_99 : vector<32x128xi1> to vector<32x128xi32>
        %convert_element_type3A_101 = arith.sitofp %convert_element_type3A_100 : vector<32x128xi32> to vector<32x128xf32>
        %slice3A_102 = vector.extract_strided_slice %get3A_96 {offsets = [1, 0], sizes = [1, 128], strides = [1, 1]} : vector<8x128xf32> to vector<1x128xf32>
        %mul3A_103 = vector.broadcast %slice3A_102 : vector<1x128xf32> to vector<32x128xf32>
        %mul3A_104 = arith.mulf %mul3A_103, %convert_element_type3A_101 : vector<32x128xf32>
        %add3A_105 = arith.addf %add3A_70, %mul3A_104 : vector<32x128xf32>
        %slice3A_106 = vector.extract_strided_slice %get3A_96 {offsets = [2, 0], sizes = [1, 128], strides = [1, 1]} : vector<8x128xf32> to vector<1x128xf32>
        %mul3A_107 = vector.broadcast %slice3A_106 : vector<1x128xf32> to vector<32x128xf32>
        %mul3A_108 = arith.mulf %mul3A_107, %convert_element_type3A_101 : vector<32x128xf32>
        %add3A_109 = arith.addf %add3A_74, %mul3A_108 : vector<32x128xf32>
        %slice3A_110 = vector.extract_strided_slice %get3A_96 {offsets = [3, 0], sizes = [1, 128], strides = [1, 1]} : vector<8x128xf32> to vector<1x128xf32>
        %mul3A_111 = vector.broadcast %slice3A_110 : vector<1x128xf32> to vector<32x128xf32>
        %mul3A_112 = arith.mulf %mul3A_111, %convert_element_type3A_101 : vector<32x128xf32>
        %add3A_113 = arith.addf %add3A_78, %mul3A_112 : vector<32x128xf32>
        %slice3A_114 = vector.extract_strided_slice %get3A_96 {offsets = [4, 0], sizes = [1, 128], strides = [1, 1]} : vector<8x128xf32> to vector<1x128xf32>
        %mul3A_115 = vector.broadcast %slice3A_114 : vector<1x128xf32> to vector<32x128xf32>
        %mul3A_116 = arith.mulf %mul3A_115, %convert_element_type3A_101 : vector<32x128xf32>
        %add3A_117 = arith.addf %add3A_82, %mul3A_116 : vector<32x128xf32>
        %slice3A_118 = vector.extract_strided_slice %get3A_96 {offsets = [5, 0], sizes = [1, 128], strides = [1, 1]} : vector<8x128xf32> to vector<1x128xf32>
        %mul3A_119 = vector.broadcast %slice3A_118 : vector<1x128xf32> to vector<32x128xf32>
        %mul3A_120 = arith.mulf %mul3A_119, %convert_element_type3A_101 : vector<32x128xf32>
        %add3A_121 = arith.addf %add3A_86, %mul3A_120 : vector<32x128xf32>
        %slice3A_122 = vector.extract_strided_slice %get3A_96 {offsets = [6, 0], sizes = [1, 128], strides = [1, 1]} : vector<8x128xf32> to vector<1x128xf32>
        %mul3A_123 = vector.broadcast %slice3A_122 : vector<1x128xf32> to vector<32x128xf32>
        %mul3A_124 = arith.mulf %mul3A_123, %convert_element_type3A_101 : vector<32x128xf32>
        %add3A_125 = arith.addf %add3A_90, %mul3A_124 : vector<32x128xf32>
        %get3A_126 = arith.index_cast %scan3A_38 : i32 to index
        %get3A_127 = arith.constant 98 : index
        %get3A_128 = arith.constant 0 : index
        %get3A_129 = arith.constant 0 : index
        %get3A_130 = vector.load %arg3[%get3A_126, %get3A_127, %get3A_128, %get3A_129] : memref<16x100x8x128xf32, #tpu.memory_space<vmem>>, vector<1x1x8x128xf32>
        %get3A_131 = vector.shape_cast %get3A_130 : vector<1x1x8x128xf32> to vector<8x128xf32>
        %slice3A_132 = vector.extract_strided_slice %get3A_131 {offsets = [0, 0], sizes = [1, 128], strides = [1, 1]} : vector<8x128xf32> to vector<1x128xf32>
        %gt3A_133 = vector.broadcast %slice3A_132 : vector<1x128xf32> to vector<32x128xf32>
        %gt3A_134 = arith.cmpf ogt, %concatenate3A, %gt3A_133 : vector<32x128xf32>
        %convert_element_type3A_135 = arith.extui %gt3A_134 : vector<32x128xi1> to vector<32x128xi32>
        %convert_element_type3A_136 = arith.sitofp %convert_element_type3A_135 : vector<32x128xi32> to vector<32x128xf32>
        %slice3A_137 = vector.extract_strided_slice %get3A_131 {offsets = [1, 0], sizes = [1, 128], strides = [1, 1]} : vector<8x128xf32> to vector<1x128xf32>
        %mul3A_138 = vector.broadcast %slice3A_137 : vector<1x128xf32> to vector<32x128xf32>
        %mul3A_139 = arith.mulf %mul3A_138, %convert_element_type3A_136 : vector<32x128xf32>
        %add3A_140 = arith.addf %add3A_105, %mul3A_139 : vector<32x128xf32>
        %slice3A_141 = vector.extract_strided_slice %get3A_131 {offsets = [2, 0], sizes = [1, 128], strides = [1, 1]} : vector<8x128xf32> to vector<1x128xf32>
        %mul3A_142 = vector.broadcast %slice3A_141 : vector<1x128xf32> to vector<32x128xf32>
        %mul3A_143 = arith.mulf %mul3A_142, %convert_element_type3A_136 : vector<32x128xf32>
        %add3A_144 = arith.addf %add3A_109, %mul3A_143 : vector<32x128xf32>
        %slice3A_145 = vector.extract_strided_slice %get3A_131 {offsets = [3, 0], sizes = [1, 128], strides = [1, 1]} : vector<8x128xf32> to vector<1x128xf32>
        %mul3A_146 = vector.broadcast %slice3A_145 : vector<1x128xf32> to vector<32x128xf32>
        %mul3A_147 = arith.mulf %mul3A_146, %convert_element_type3A_136 : vector<32x128xf32>
        %add3A_148 = arith.addf %add3A_113, %mul3A_147 : vector<32x128xf32>
        %slice3A_149 = vector.extract_strided_slice %get3A_131 {offsets = [4, 0], sizes = [1, 128], strides = [1, 1]} : vector<8x128xf32> to vector<1x128xf32>
        %mul3A_150 = vector.broadcast %slice3A_149 : vector<1x128xf32> to vector<32x128xf32>
        %mul3A_151 = arith.mulf %mul3A_150, %convert_element_type3A_136 : vector<32x128xf32>
        %add3A_152 = arith.addf %add3A_117, %mul3A_151 : vector<32x128xf32>
        %slice3A_153 = vector.extract_strided_slice %get3A_131 {offsets = [5, 0], sizes = [1, 128], strides = [1, 1]} : vector<8x128xf32> to vector<1x128xf32>
        %mul3A_154 = vector.broadcast %slice3A_153 : vector<1x128xf32> to vector<32x128xf32>
        %mul3A_155 = arith.mulf %mul3A_154, %convert_element_type3A_136 : vector<32x128xf32>
        %add3A_156 = arith.addf %add3A_121, %mul3A_155 : vector<32x128xf32>
        %slice3A_157 = vector.extract_strided_slice %get3A_131 {offsets = [6, 0], sizes = [1, 128], strides = [1, 1]} : vector<8x128xf32> to vector<1x128xf32>
        %mul3A_158 = vector.broadcast %slice3A_157 : vector<1x128xf32> to vector<32x128xf32>
        %mul3A_159 = arith.mulf %mul3A_158, %convert_element_type3A_136 : vector<32x128xf32>
        %add3A_160 = arith.addf %add3A_125, %mul3A_159 : vector<32x128xf32>
        %get3A_161 = arith.index_cast %scan3A_38 : i32 to index
        %get3A_162 = arith.constant 0 : index
        %get3A_163 = arith.constant 0 : index
        %get3A_164 = vector.load %arg4[%get3A_161, %get3A_162, %get3A_163] : memref<16x8x128xf32, #tpu.memory_space<vmem>>, vector<1x8x128xf32>
        %get3A_165 = vector.shape_cast %get3A_164 : vector<1x8x128xf32> to vector<8x128xf32>
        %slice3A_166 = vector.extract_strided_slice %get3A_165 {offsets = [0, 0], sizes = [1, 128], strides = [1, 1]} : vector<8x128xf32> to vector<1x128xf32>
        %slice3A_167 = vector.extract_strided_slice %get3A_165 {offsets = [1, 0], sizes = [1, 128], strides = [1, 1]} : vector<8x128xf32> to vector<1x128xf32>
        %slice3A_168 = vector.extract_strided_slice %get3A_165 {offsets = [2, 0], sizes = [1, 128], strides = [1, 1]} : vector<8x128xf32> to vector<1x128xf32>
        %slice3A_169 = vector.extract_strided_slice %get3A_165 {offsets = [3, 0], sizes = [1, 128], strides = [1, 1]} : vector<8x128xf32> to vector<1x128xf32>
        %slice3A_170 = vector.extract_strided_slice %get3A_165 {offsets = [4, 0], sizes = [1, 128], strides = [1, 1]} : vector<8x128xf32> to vector<1x128xf32>
        %slice3A_171 = vector.extract_strided_slice %get3A_165 {offsets = [5, 0], sizes = [1, 128], strides = [1, 1]} : vector<8x128xf32> to vector<1x128xf32>
        %sub3A_172 = arith.subf %add3A_144, %add3A_140 : vector<32x128xf32>
        %sub3A_173 = arith.subf %add3A_152, %add3A_148 : vector<32x128xf32>
        %div3A = arith.divf %sub3A_173, %sub3A_172 : vector<32x128xf32>
        %sub3A_174 = arith.subf %concatenate3A, %add3A_140 : vector<32x128xf32>
        %div3A_175 = arith.divf %sub3A_174, %sub3A_172 : vector<32x128xf32>
        %jit3A = arith.constant 0.000000e+00 : f32
        %jit3A_176 = arith.constant 1.000000e+00 : f32
        %max3A = vector.broadcast %jit3A : f32 to vector<32x128xf32>
        %max3A_177 = arith.maximumf %max3A, %div3A_175 : vector<32x128xf32>
        %min3A = vector.broadcast %jit3A_176 : f32 to vector<32x128xf32>
        %min3A_178 = arith.minimumf %min3A, %max3A_177 : vector<32x128xf32>
        %sub3A_179 = arith.constant 1.000000e+00 : f32
        %sub3A_180 = vector.broadcast %sub3A_179 : f32 to vector<32x128xf32>
        %sub3A_181 = arith.subf %sub3A_180, %min3A_178 : vector<32x128xf32>
        %add3A_182 = arith.addf %add3A_156, %add3A_160 : vector<32x128xf32>
        %mul3A_183 = arith.constant 2.000000e+00 : f32
        %mul3A_184 = vector.broadcast %mul3A_183 : f32 to vector<32x128xf32>
        %mul3A_185 = arith.mulf %mul3A_184, %div3A : vector<32x128xf32>
        %sub3A_186 = arith.subf %add3A_182, %mul3A_185 : vector<32x128xf32>
        %mul3A_187 = arith.mulf %sub3A_186, %min3A_178 : vector<32x128xf32>
        %mul3A_188 = arith.mulf %mul3A_187, %sub3A_181 : vector<32x128xf32>
        %add3A_189 = arith.addf %div3A, %mul3A_188 : vector<32x128xf32>
        %mul3A_190 = arith.mulf %div3A, %min3A_178 : vector<32x128xf32>
        %mul3A_191 = arith.mulf %mul3A_190, %min3A_178 : vector<32x128xf32>
        %mul3A_192 = arith.mulf %add3A_156, %min3A_178 : vector<32x128xf32>
        %mul3A_193 = arith.mulf %mul3A_192, %sub3A_181 : vector<32x128xf32>
        %add3A_194 = arith.addf %mul3A_191, %mul3A_193 : vector<32x128xf32>
        %mul3A_195 = arith.mulf %sub3A_173, %add3A_194 : vector<32x128xf32>
        %div3A_196 = arith.divf %mul3A_195, %add3A_189 : vector<32x128xf32>
        %add3A_197 = arith.addf %add3A_148, %div3A_196 : vector<32x128xf32>
        %mul3A_198 = arith.mulf %div3A, %div3A : vector<32x128xf32>
        %mul3A_199 = arith.mulf %add3A_160, %min3A_178 : vector<32x128xf32>
        %mul3A_200 = arith.mulf %mul3A_199, %min3A_178 : vector<32x128xf32>
        %mul3A_201 = arith.constant 2.000000e+00 : f32
        %mul3A_202 = vector.broadcast %mul3A_201 : f32 to vector<32x128xf32>
        %mul3A_203 = arith.mulf %mul3A_202, %div3A : vector<32x128xf32>
        %mul3A_204 = arith.mulf %mul3A_203, %min3A_178 : vector<32x128xf32>
        %mul3A_205 = arith.mulf %mul3A_204, %sub3A_181 : vector<32x128xf32>
        %add3A_206 = arith.addf %mul3A_200, %mul3A_205 : vector<32x128xf32>
        %mul3A_207 = arith.mulf %add3A_156, %sub3A_181 : vector<32x128xf32>
        %mul3A_208 = arith.mulf %mul3A_207, %sub3A_181 : vector<32x128xf32>
        %add3A_209 = arith.addf %add3A_206, %mul3A_208 : vector<32x128xf32>
        %mul3A_210 = arith.mulf %mul3A_198, %add3A_209 : vector<32x128xf32>
        %mul3A_211 = arith.mulf %add3A_189, %add3A_189 : vector<32x128xf32>
        %div3A_212 = arith.divf %mul3A_210, %mul3A_211 : vector<32x128xf32>
        %le3A = vector.broadcast %slice3A_166 : vector<1x128xf32> to vector<32x128xf32>
        %le3A_213 = arith.cmpf ole, %concatenate3A, %le3A : vector<32x128xf32>
        %gt3A_214 = vector.broadcast %slice3A_169 : vector<1x128xf32> to vector<32x128xf32>
        %gt3A_215 = arith.cmpf ogt, %concatenate3A, %gt3A_214 : vector<32x128xf32>
        %sub3A_216 = vector.broadcast %slice3A_166 : vector<1x128xf32> to vector<32x128xf32>
        %sub3A_217 = arith.subf %concatenate3A, %sub3A_216 : vector<32x128xf32>
        %mul3A_218 = vector.broadcast %slice3A_168 : vector<1x128xf32> to vector<32x128xf32>
        %mul3A_219 = arith.mulf %sub3A_217, %mul3A_218 : vector<32x128xf32>
        %add3A_220 = vector.broadcast %slice3A_167 : vector<1x128xf32> to vector<32x128xf32>
        %add3A_221 = arith.addf %add3A_220, %mul3A_219 : vector<32x128xf32>
        %sub3A_222 = vector.broadcast %slice3A_169 : vector<1x128xf32> to vector<32x128xf32>
        %sub3A_223 = arith.subf %concatenate3A, %sub3A_222 : vector<32x128xf32>
        %mul3A_224 = vector.broadcast %slice3A_171 : vector<1x128xf32> to vector<32x128xf32>
        %mul3A_225 = arith.mulf %sub3A_223, %mul3A_224 : vector<32x128xf32>
        %add3A_226 = vector.broadcast %slice3A_170 : vector<1x128xf32> to vector<32x128xf32>
        %add3A_227 = arith.addf %add3A_226, %mul3A_225 : vector<32x128xf32>
        %select_n3A = arith.select %gt3A_215, %add3A_227, %add3A_197 : vector<32x128xi1>, vector<32x128xf32>
        %select_n3A_228 = arith.select %le3A_213, %add3A_221, %select_n3A : vector<32x128xi1>, vector<32x128xf32>
        %log3A = math.log %slice3A_168 : vector<1x128xf32>
        %log3A_229 = math.log %slice3A_171 : vector<1x128xf32>
        %log3A_230 = math.log %div3A_212 : vector<32x128xf32>
        %broadcast_in_dim3A_231 = vector.shape_cast %log3A_229 : vector<1x128xf32> to vector<1x128xf32>
        %broadcast_in_dim3A_232 = vector.broadcast %broadcast_in_dim3A_231 : vector<1x128xf32> to vector<32x128xf32>
        %select_n3A_233 = arith.select %gt3A_215, %broadcast_in_dim3A_232, %log3A_230 : vector<32x128xi1>, vector<32x128xf32>
        %broadcast_in_dim3A_234 = vector.shape_cast %log3A : vector<1x128xf32> to vector<1x128xf32>
        %broadcast_in_dim3A_235 = vector.broadcast %broadcast_in_dim3A_234 : vector<1x128xf32> to vector<32x128xf32>
        %select_n3A_236 = arith.select %le3A_213, %broadcast_in_dim3A_235, %select_n3A_233 : vector<32x128xi1>, vector<32x128xf32>
        %ge3A_237 = vector.broadcast %get3A_42 : i32 to vector<32x128xi32>
        %ge3A_238 = arith.cmpi sge, %add3A_13, %ge3A_237 : vector<32x128xi32>
        %lt3A_239 = vector.broadcast %get3A_46 : i32 to vector<32x128xi32>
        %lt3A_240 = arith.cmpi slt, %add3A_13, %lt3A_239 : vector<32x128xi32>
        %and3A_241 = arith.andi %ge3A_238, %lt3A_240 : vector<32x128xi1>
        %select_n3A_242 = arith.select %and3A_241, %select_n3A_228, %scan3A_39 : vector<32x128xi1>, vector<32x128xf32>
        %select_n3A_243 = arith.select %and3A_241, %select_n3A_236, %scan3A_40 : vector<32x128xi1>, vector<32x128xf32>
        scf.yield %select_n3A_242, %select_n3A_243 : vector<32x128xf32>, vector<32x128xf32>
      } else {
        scf.yield %scan3A_39, %scan3A_40 : vector<32x128xf32>, vector<32x128xf32>
      }
      scf.yield %cond3A_49#0, %cond3A_49#1 : vector<32x128xf32>, vector<32x128xf32>
    }
    %scan3A_19 = arith.constant 16 : i32
    %sub3A = arith.subf %scan3A_18#0, %concatenate3A : vector<32x128xf32>
    %slice3A_20 = vector.extract_strided_slice %scan3A_18#1 {offsets = [0, 0], sizes = [32, 64], strides = [1, 1]} : vector<32x128xf32> to vector<32x64xf32>
    %reduce_sum3A = arith.constant dense<0.000000e+00> : vector<32xf32>
    %reduce_sum3A_21 = vector.multi_reduction <add>, %slice3A_20, %reduce_sum3A [1] : vector<32x64xf32> to vector<32xf32>
    %broadcast_in_dim3A_22 = vector.shape_cast %reduce_sum3A_21 : vector<32xf32> to vector<32x1xf32>
    %slice3A_23 = vector.extract_strided_slice %scan3A_18#1 {offsets = [0, 64], sizes = [32, 64], strides = [1, 1]} : vector<32x128xf32> to vector<32x64xf32>
    %reduce_sum3A_24 = arith.constant dense<0.000000e+00> : vector<32xf32>
    %reduce_sum3A_25 = vector.multi_reduction <add>, %slice3A_23, %reduce_sum3A_24 [1] : vector<32x64xf32> to vector<32xf32>
    %broadcast_in_dim3A_26 = vector.shape_cast %reduce_sum3A_25 : vector<32xf32> to vector<32x1xf32>
    %slice3A_27 = vector.extract_strided_slice %sub3A {offsets = [0, 0], sizes = [32, 64], strides = [1, 1]} : vector<32x128xf32> to vector<32x64xf32>
    %broadcast_in_dim3A_28 = vector.shape_cast %broadcast_in_dim3A_22 : vector<32x1xf32> to vector<32x1xf32>
    %broadcast_in_dim3A_29 = vector.broadcast %broadcast_in_dim3A_28 : vector<32x1xf32> to vector<32x64xf32>
    %concatenate3A_30 = tpu.concatenate %slice3A_27, %broadcast_in_dim3A_29 in 1 : vector<32x64xf32>, vector<32x64xf32> -> vector<32x128xf32>
    %slice3A_31 = vector.extract_strided_slice %sub3A {offsets = [0, 64], sizes = [32, 64], strides = [1, 1]} : vector<32x128xf32> to vector<32x64xf32>
    %broadcast_in_dim3A_32 = vector.shape_cast %broadcast_in_dim3A_26 : vector<32x1xf32> to vector<32x1xf32>
    %broadcast_in_dim3A_33 = vector.broadcast %broadcast_in_dim3A_32 : vector<32x1xf32> to vector<32x64xf32>
    %concatenate3A_34 = tpu.concatenate %slice3A_31, %broadcast_in_dim3A_33 in 1 : vector<32x64xf32>, vector<32x64xf32> -> vector<32x128xf32>
    %concatenate3A_35 = tpu.concatenate %concatenate3A_30, %concatenate3A_34 in 0 : vector<32x128xf32>, vector<32x128xf32> -> vector<64x128xf32>
    %swap3A = arith.constant 0 : index
    %swap3A_36 = arith.constant 0 : index
    %swap3A_37 = vector.load %arg5[%swap3A, %swap3A_36] : memref<64x128xf32, #tpu.memory_space<vmem>>, vector<64x128xf32>
    tpu.vector_store %arg5[%swap3A, %swap3A_36], %concatenate3A_35 {strides = array<i32>} : memref<64x128xf32, #tpu.memory_space<vmem>>, vector<64x128xf32>,
    return
  }
  func.func @transform_0(%arg0: i32, %arg1: memref<17xi32, #tpu.memory_space<smem>>) -> (i32, i32) {
    %c0_i32 = arith.constant 0 : i32
    %c0_i32_0 = arith.constant 0 : i32
    return %arg0, %c0_i32 : i32, i32
  }
  func.func @transform_1(%arg0: i32, %arg1: memref<17xi32, #tpu.memory_space<smem>>) -> (i32, i32, i32, i32) {
    %c0_i32 = arith.constant 0 : i32
    %c0_i32_0 = arith.constant 0 : i32
    %c0_i32_1 = arith.constant 0 : i32
    %c0_i32_2 = arith.constant 0 : i32
    %c0_i32_3 = arith.constant 0 : i32
    return %c0_i32, %c0_i32_0, %c0_i32_1, %c0_i32_2 : i32, i32, i32, i32
  }
  func.func @transform_2(%arg0: i32, %arg1: memref<17xi32, #tpu.memory_space<smem>>) -> (i32, i32, i32) {
    %c0_i32 = arith.constant 0 : i32
    %c0_i32_0 = arith.constant 0 : i32
    %c0_i32_1 = arith.constant 0 : i32
    %c0_i32_2 = arith.constant 0 : i32
    return %c0_i32, %c0_i32_0, %c0_i32_1 : i32, i32, i32
  }
  func.func @transform_3(%arg0: i32, %arg1: memref<17xi32, #tpu.memory_space<smem>>) -> (i32, i32) {
    %c0_i32 = arith.constant 0 : i32
    %c0_i32_0 = arith.constant 0 : i32
    return %arg0, %c0_i32 : i32, i32
  }
}

module attributes {stable_mosaic.version = 14 : i64} {
  func.func @_fin_body(%arg0: i32, %arg1: memref<512x2048xf32, #tpu.memory_space<vmem>>, %arg2: memref<512x128xf32, #tpu.memory_space<vmem>>, %arg3: memref<2048x64xf32, #tpu.memory_space<vmem>>, %arg4: memref<512x2048xf32, #tpu.memory_space<vmem>>) attributes {dimension_semantics = [#tpu.dimension_semantics<arbitrary>], iteration_bounds = array<i64: 8>, scalar_prefetch = 0 : i64, scratch_operands = 0 : i64, tpu.core_type = #tpu.core_type<tc>, window_params = [{transform_indices = @transform_0, window_bounds = array<i64: 512, 2048>}, {transform_indices = @transform_1, window_bounds = array<i64: 512, 128>}, {pipeline_mode = #tpu.pipeline_mode<synchronous>, transform_indices = @transform_2, window_bounds = array<i64: 2048, 64>}, {transform_indices = @transform_3, window_bounds = array<i64: 512, 2048>}]} {
    %get3A = arith.constant 0 : index
    %get3A_0 = arith.constant 0 : index
    %get3A_1 = vector.load %arg1[%get3A, %get3A_0] : memref<512x2048xf32, #tpu.memory_space<vmem>>, vector<512x2048xf32>
    %get3A_2 = arith.constant 0 : index
    %get3A_3 = arith.constant 0 : index
    %get3A_4 = vector.load %arg2[%get3A_2, %get3A_3] : memref<512x128xf32, #tpu.memory_space<vmem>>, vector<512x128xf32>
    %slice3A = vector.extract_strided_slice %get3A_4 {offsets = [0, 0], sizes = [512, 64], strides = [1, 1]} : vector<512x128xf32> to vector<512x64xf32>
    %get3A_5 = arith.constant 0 : index
    %get3A_6 = arith.constant 0 : index
    %get3A_7 = vector.load %arg3[%get3A_5, %get3A_6] : memref<2048x64xf32, #tpu.memory_space<vmem>>, vector<2048x64xf32>
    %dot_general3A = arith.constant dense<0.000000e+00> : vector<512x2048xf32>
    %dot_general3A_8 = tpu.matmul %slice3A, %get3A_7, %dot_general3A {dimension_numbers = #tpu.dot_dimension_numbers<[1], [1], [0], [0], [0, 0, 1, 0], [], []>, transpose_lhs_hint = false} : vector<512x64xf32>, vector<2048x64xf32>, vector<512x2048xf32> -> vector<512x2048xf32>
    %add3A = arith.addf %get3A_1, %dot_general3A_8 : vector<512x2048xf32>
    %swap3A = arith.constant 0 : index
    %swap3A_9 = arith.constant 0 : index
    %swap3A_10 = vector.load %arg4[%swap3A, %swap3A_9] : memref<512x2048xf32, #tpu.memory_space<vmem>>, vector<512x2048xf32>
    tpu.vector_store %arg4[%swap3A, %swap3A_9], %add3A {strides = array<i32>} : memref<512x2048xf32, #tpu.memory_space<vmem>>, vector<512x2048xf32>,
    return
  }
  func.func @transform_0(%arg0: i32) -> (i32, i32) {
    %c0_i32 = arith.constant 0 : i32
    %c0_i32_0 = arith.constant 0 : i32
    return %arg0, %c0_i32 : i32, i32
  }
  func.func @transform_1(%arg0: i32) -> (i32, i32) {
    %c0_i32 = arith.constant 0 : i32
    %c0_i32_0 = arith.constant 0 : i32
    return %arg0, %c0_i32 : i32, i32
  }
  func.func @transform_2(%arg0: i32) -> (i32, i32) {
    %c0_i32 = arith.constant 0 : i32
    %c0_i32_0 = arith.constant 0 : i32
    %c0_i32_1 = arith.constant 0 : i32
    return %c0_i32, %c0_i32_0 : i32, i32
  }
  func.func @transform_3(%arg0: i32) -> (i32, i32) {
    %c0_i32 = arith.constant 0 : i32
    %c0_i32_0 = arith.constant 0 : i32
    return %arg0, %c0_i32 : i32, i32
  }
}

</mosaic_0001>

<sc_bundles>
// kernel: kernel.12.cloned.1.call-start
scs
__scs_entry_jumppad:
0x0: {  	(pc) =	sbr.rel $0x88, $3  }
0x1: {  	(tag) =	ssettag $0x0;
	lr =	simm.s32 $0x1  }
0x2: {  	[smem:$0x3F9B] =	sst lr;
	_ =	strace $0xD0000000  }
0x3: {  	_ = 	snop  }
0x4: {  	_ = 	snop  }
0x5: {  	_ = 	snop  }
0x6: {  	_ = 	snop  }
0x7: {  	_ = 	snop  }
__scs_overlays_trampoline_lowered:
0x8: {  	[smem:$0x3FAA] =	sst s0  }
0x9: {  	[smem:$0x3FAB] =	sst s1  }
0xa: {  	[smem:$0x3FAC] =	sst s2  }
0xb: {  	[smem:$0x3FAD] =	sst s3  }
0xc: {  	[smem:$0x3FAE] =	sst s4  }
0xd: {  	[smem:$0x3FAF] =	sst s5  }
0xe: {  	[smem:$0x3FB0] =	sst s6  }
0xf: {  	[smem:$0x3FB1] =	sst s7  }
0x10: {  	[smem:$0x3FB2] =	sst s8  }
0x11: {  	[smem:$0x3FB3] =	sst s9;
	s0 =	simm.s32 @!p0 $0x0  }
0x12: {  	s1 =	sld [smem:$0x3F99];
	s0 =	simm.s32 @p0 $0x1  }
0x13: {  	[smem:$0x3FB4] =	sst s0;
	s0 =	simm.s32 @!p1 $0x0  }
0x14: {  	s2 =	sld [smem:$0x3F98];
	s0 =	simm.s32 @p1 $0x1  }
0x15: {  	[smem:$0x3FB5] =	sst s0;
	s0 =	simm.s32 @!p2 $0x0  }
0x16: {  	s3 =	sld [smem:$0x3FDB];
	s0 =	simm.s32 @p2 $0x1  }
0x17: {  	s4 =	simm.s32 $0x1BF5;
	[smem:$0x3FB7] =	sst s0  }
0x18: {  	s0 =	sld [smem:$0x3F9A];
	_ =	swait.ge [sflag:s4], $0x0  }
0x19: {  	s7 =	sld [smem:$0x3F9B]  }
0x1a: {  	s8 =	sadd.s32 $0xFFFFE003, lr  }
0x1b: {  	s9 =	sadd.s32 $0xFFFFFEF7, lr;
	s5 =	simm.s32 $0xFFFFFFFF;
	p2 =	slt.u32 s8, $0xFFFFF086  }
0x1c: {  	p1 =	slt.u32 s9, $0xF7A;
	s5 =	simm.s32 @!p2 $0x0  }
0x1d: {  	s5 =	simm.s32 @p1 $0x1;
	p0 =	seq.s32 s7, s2  }
0x1e: {  	s7 =	smul.u32 @!p0 $0xF7A, s2;
	p2 =	seq.s32 @!p0 s5, $0x0  }
0x1f: {  	s9 =	smul.u32 $0xF7A, s1;
	s8 =	simm.s32 @!p0 $0x1BF5;
	p2 =	por !p2, p0  }
0x20: {  	[sflag:s8] =	ssyncset.s32 @!p0 $0xFFFFF086;
	s6 =	sadd.s32 @!p0 s3, s7;
	s7 =	simm.s32 @!p0 $0x108  }
0x21: {  	s3 =	sadd.s32 s3, s9;
	s6 =	sadd.s32 @!p0 $0x88, s6;
	s7 =	simm.s32 @p2 $0x1082  }
0x22: {  	[simem:s7], [sflag:s8] =	dma.local @!p0 [hbm:s6], $0xF7A  }
0x23: {  	s9 =	sor.u32 $0xD0000000, s2;
	s6 =	simm.s32 $0x108;
	_ =	swait.ge @!p0 [sflag:s8], $0x0  }
0x24: {  	s3 =	sadd.s32 $0x88, s3;
	s6 =	simm.s32 @!p1 $0x1082;
	[sflag:s4] =	ssyncset.s32 $0xFFFFF086  }
0x25: {  	[simem:s6], [sflag:s4] =	dma.local [hbm:s3], $0xF7A  }
0x26: {  	[smem:$0x3F9B] =	sst s1;
	(tag) =	ssettag s2;
	_ =	strace s9  }
0x27: {  	s1 =	sld [smem:$0x3FAB]  }
0x28: {  	s2 =	sld [smem:$0x3FAC]  }
0x29: {  	s4 =	sld [smem:$0x3FAE]  }
0x2a: {  	p0 =	seq.s32 s5, $0x0;
	s5 =	sld [smem:$0x3FAF]  }
0x2b: {  	s6 =	sld [smem:$0x3FB0]  }
0x2c: {  	s7 =	sld [smem:$0x3FB1]  }
0x2d: {  	s3 =	simm.s32 $0x108;
	s8 =	sld [smem:$0x3FB2]  }
0x2e: {  	s3 =	simm.s32 @!p0 $0x1082;
	s9 =	sld [smem:$0x3FB3]  }
0x2f: {  	lr =	sadd.s32 s0, s3;
	s0 =	sld [smem:$0x3FAA]  }
0x30: {  	s3 =	sld [smem:$0x3FAD]  }
0x31: {  	[smem:$0x3FB6] =	sst s10  }
0x32: {  	s10 =	sld [smem:$0x3FB4];
	_ =	sdelay $0x3  }
0x33: {  	p0 =	seq.s32 s10, $0x1;
	s10 =	sld [smem:$0x3FB6];
	_ =	sdelay $0x3  }
0x34: {  	[smem:$0x3FB6] =	sst s10  }
0x35: {  	s10 =	sld [smem:$0x3FB5];
	_ =	sdelay $0x3  }
0x36: {  	p1 =	seq.s32 s10, $0x1;
	s10 =	sld [smem:$0x3FB6];
	_ =	sdelay $0x3  }
0x37: {  	[smem:$0x3FB6] =	sst s10  }
0x38: {  	s10 =	sld [smem:$0x3FB7]  }
0x39: {  	_ = 	snop;
	(pc) =	sbr.ind lr, $3  }
0x3a: {  	_ = 	snop  }
0x3b: {  	_ = 	snop  }
0x3c: {  	p2 =	seq.s32 s10, $0x1;
	s10 =	sld [smem:$0x3FB6]  }
0x3d: {  	_ =	shalt  }
0x3e: {  	_ =	shalt  }
0x3f: {  	_ =	shalt  }
0x40: {  	_ =	shalt  }
0x41: {  	_ =	shalt  }
0x42: {  	_ =	shalt  }
0x43: {  	_ =	shalt  }
0x44: {  	_ =	shalt  }
0x45: {  	_ =	shalt  }
0x46: {  	_ =	shalt  }
0x47: {  	_ =	shalt  }
0x48: {  	_ =	shalt  }
0x49: {  	_ =	shalt  }
0x4a: {  	_ =	shalt  }
0x4b: {  	_ =	shalt  }
0x4c: {  	_ =	shalt  }
0x4d: {  	_ =	shalt  }
0x4e: {  	_ =	shalt  }
0x4f: {  	_ =	shalt  }
0x50: {  	_ =	shalt  }
0x51: {  	_ =	shalt  }
0x52: {  	_ =	shalt  }
0x53: {  	_ =	shalt  }
0x54: {  	_ =	shalt  }
0x55: {  	_ =	shalt  }
0x56: {  	_ =	shalt  }
0x57: {  	_ =	shalt  }
0x58: {  	_ =	shalt  }
0x59: {  	_ =	shalt  }
0x5a: {  	_ =	shalt  }
0x5b: {  	_ =	shalt  }
0x5c: {  	_ =	shalt  }
0x5d: {  	_ =	shalt  }
0x5e: {  	_ =	shalt  }
0x5f: {  	_ =	shalt  }
0x60: {  	_ =	shalt  }
0x61: {  	_ =	shalt  }
0x62: {  	_ =	shalt  }
0x63: {  	_ =	shalt  }
0x64: {  	_ =	shalt  }
0x65: {  	_ =	shalt  }
0x66: {  	_ =	shalt  }
0x67: {  	_ =	shalt  }
0x68: {  	_ =	shalt  }
0x69: {  	_ =	shalt  }
0x6a: {  	_ =	shalt  }
0x6b: {  	_ =	shalt  }
0x6c: {  	_ =	shalt  }
0x6d: {  	_ =	shalt  }
0x6e: {  	_ =	shalt  }
0x6f: {  	_ =	shalt  }
0x70: {  	_ =	shalt  }
0x71: {  	_ =	shalt  }
0x72: {  	_ =	shalt  }
0x73: {  	_ =	shalt  }
0x74: {  	_ =	shalt  }
0x75: {  	_ =	shalt  }
0x76: {  	_ =	shalt  }
0x77: {  	_ =	shalt  }
0x78: {  	_ =	shalt  }
0x79: {  	_ =	shalt  }
0x7a: {  	_ =	shalt  }
0x7b: {  	_ =	shalt  }
0x7c: {  	_ =	shalt  }
0x7d: {  	_ =	shalt  }
0x7e: {  	_ =	shalt  }
0x7f: {  	_ =	shalt  }
0x80: {  	_ =	shalt  }
0x81: {  	_ =	shalt  }
0x82: {  	_ =	shalt  }
0x83: {  	_ =	shalt  }
0x84: {  	_ =	shalt  }
0x85: {  	_ =	shalt  }
0x86: {  	_ =	shalt  }
0x87: {  	_ =	shalt  }
.Lfunc_end0:
.L_simem_size_0:
called_computation.1_lowered:
.L_overlay_start_0:
0x88: {  	s2 =	sld [smem:$0x3FD9]  }
0x89: {  	s3 =	sld [smem:$0x3FFE];
	_ =	sdelay $0x1  }
0x8a: {  	s1 =	srdreg.scid  }
0x8b: {  	s0 =	sand.u32 $0x1, s1  }
0x8c: {  	s14 =	sshll.u32 s0, $0xA;
	s2 =	sadd.s32 s3, s2  }
0x8d: {  	s2 =	sadd.s32 s2, s14  }
0x8e: {  	[smem:$0x3FC2] =	sst s2  }
0x8f: {  	_ = 	snop  }
0x90: {  	s2 =	sld [smem:$0x3FD0];
	_ =	sdelay $0x2  }
0x91: {  	s15 =	simm.s32 $0xA;
	s4 =	simm.s32 $0x10  }
0x92: {  	[smem:s4], [sflag:s15] =	dma.local [hbm:s2], $0x1  }
0x93: {  	_ =	swait.eq [sflag:s15], $0x1  }
0x94: {  	[sflag:s15] =	ssyncset.done $0x0  }
0x95: {  	s16 =	sld [smem:$0x10];
	[sflag:s15] =	ssyncadd.s32 $0xFFFFFFFF  }
0x96: {  	s17 =	sld [smem:$0x11];
	(tm) =	ssettm $0x1  }
0x97: {  	s18 =	sld [smem:$0x3FFB];
	_ =	sdelay $0x3  }
0x98: {  	_ =	strace s18  }
0x99: {  	s4 =	sld [smem:$0x3FFC];
	_ =	sdelay $0x3  }
0x9a: {  	_ =	strace s4  }
0x9b: {  	s4 =	sld [smem:$0x3FFD];
	_ =	sdelay $0x3  }
0x9c: {  	_ =	strace s4  }
0x9d: {  	_ =	strace $0x8FFFFFFF  }
0x9e: {  	s19 =	sld [smem:$0x3FDB];
	_ =	sdelay $0x1  }
0x9f: {  	s5 =	simm.s32 $_scs_section_size  }
0xa0: {  	s6 =	simm.s32 $_size__tile_overlayer_lowered;
	s7 =	simm.s32 $_tile_overlayer_lowered  }
0xa1: {  	s22 =	simm.s32 $0x1BFF;
	s21 =	sshll.u32 s7, $0x1;
	s4 =	sadd.s32 s5, s19  }
0xa2: {  	s8 =	simm.s32 $0x0;
	s20 =	sshll.u32 s6, $0x1;
	s6 =	sadd.s32 s21, s4  }
0xa3: {  	[timem:s8], [sflag:s22] =	dma.local [hbm:s6], s20  }
0xa4: {  	_ =	swait.ge [sflag:s22], s20  }
0xa5: {  	s5 =	ssub.s32 $0x0, s20;
	[sflag:s22] =	ssyncset.done $0x0  }
0xa6: {  	[sflag:s22] =	ssyncadd.s32 s5;
	_ =	sdelay $0x1  }
0xa7: {  	s23 =	simm.s32 $0x1B8B  }
0xa8: {  	_ =	swait.ge [sflag:s23], $0x1  }
0xa9: {  	[sflag:s23] =	ssyncset.done $0x0  }
0xaa: {  	s25 =	simm.s32 $0x1B8E;
	s24 =	sld [smem:$0x3FFE];
	[sflag:s23] =	ssyncadd.s32 $0xFFFFFFFF  }
0xab: {  	s26 =	simm.s32 $execute0_lowered;
	[smem:$0x3FD2] =	sst s25  }
0xac: {  	s6 =	sshll.u32 s26, $0x1;
	_ =	strace $0x80000049;
	[dreg:$0x1] =	wrdreg $0xFFFFFFFF  }
0xad: {  	s28 =	simm.s32 $_size_execute0_lowered;
	s4 =	sadd.s32 s4, s6;
	[dreg:$0x0] =	wrdreg $0x0  }
0xae: {  	s6 =	sshll.u32 s28, $0x1;
	[dreg:$0x2] =	wrdreg s4  }
0xaf: {  	[dreg:$0x3] =	wrdreg s6  }
0xb0: {  	[dreg:$0x4] =	wrdreg $0xC0  }
0xb1: {  	_ =	task [dreg:s8], $0x5FFFF  }
0xb2: {  	[dreg:$0x1] =	wrdreg $0xFFFFFFFF  }
0xb3: {  	[dreg:$0x0] =	wrdreg $0x60  }
0xb4: {  	[dreg:$0x2] =	wrdreg s16  }
0xb5: {  	[dreg:$0x3] =	wrdreg s17  }
0xb6: {  	[dreg:$0x4] =	wrdreg s24  }
0xb7: {  	[dreg:$0x5] =	wrdreg $0x9  }
0xb8: {  	_ =	task.clear_ibuf [dreg:s8], $0x6FFFF;
	_ =	strace $0x90000049  }
0xb9: {  	s29 =	simm.s32 $0x9;
	_ =	strace $0x8000004B  }
0xba: {  	_ =	swait.ge [sflag:s29], $0x1  }
0xbb: {  	[sflag:s29] =	ssyncadd.s32 $0xFFFFFFFF  }
0xbc: {  	_ =	strace $0x9000004B  }
0xbd: {  	_ =	sfence  }
0xbe: {  	s30 =	sld [smem:$0x0];
	_ =	sdelay $0x2  }
0xbf: {  	s31 =	sshll.u32 s1, $0xD;
	s1 =	sshrl.u32 s1, $0x2  }
0xc0: {  	s3 =	sand.u32 $0x4000, s31;
	s1 =	sadd.s32 s1, s30  }
0xc1: {  	s0 =	sor.u32 s3, s0;
	s1 =	sshll.u32 s1, $0x11  }
0xc2: {  	s0 =	sor.u32 s1, s0  }
0xc3: {  	s0 =	sadd.s32 $0x8F2B, s0  }
0xc4: {  	[sflag:s0] =	ssyncadd.remote.s32 $0x1  }
0xc5: {  	_ =	sfence.sel $0xFFFF  }
0xc6: {  	[dreg:$0x0] =	wrdreg $0xFFFFFFFF;
	(pc) =	sbr.abs _section_cstart, $3  }
0xc7: {  	[dreg:$0x1] =	wrdreg $0xFFFFFFFF  }
0xc8: {  	_ =	task.clear_ibuf [dreg:s8], $0x2FFFF;
	_ =	strace $0x9FFFFFFF  }
0xc9: {  	(tm) =	ssettm $0x7FFFFFFF  }
tec
execute0_lowered:
.L_overlay_start_1:
0x0: {  	(tag) =	ssettag $0x1  }
0x1: {  	s2 =	rddreg [dreg:$0x0]  }
0x2: {  	s4 =	rddreg [dreg:$0x1]  }
0x3: {  	s9 =	rddreg [dreg:$0x2];
	s3 =	srdreg.scid  }
0x4: {  	s0 =	rddreg [dreg:$0x3];
	s1 =	stileid.u32;
	s7 =	sand.u32 $0x1, s3  }
0x5: {  	s3 =	simm.s32 $0x0;
	s5 =	sshll.u32 s1, $0x8;
	s6 =	sshll.u32 s7, $0x7  }
0x6: {  	s8 =	simm.s32 $0x1;
	[smem:$0x7FF] =	sst s3;
	s10 =	sor.u32 s6, s5  }
0x7: {  	s11 =	ssub.s32 $0x2, s7;
	_ =	strace $0x8000004A;
	s5 =	sshrl.u32 s10, $0x3  }
0x8: {  	s6 =	simm.s32 $0x4000;
	s4 =	sadd.s32 s4, s5;
	s5 =	simm.s32 $0x2  }
0x9: {  	[tilespmem:s6], [sflag:$0x2] =	stream.linear.gather [hbm4b:s4+s3], $0x80, $0x38;
	[tilespmem:$0x4080] =	vst v63  }
0xa: {  	s7 =	simm.s32 $0x80;
	s12 =	sshrl.u32 s11, $0x1;
	_ =	swait.ge [sflag:s5], $0x80  }
0xb: {  	s10 =	sshll.u32 s10, $0x4;
	s31 =	ssub.s32 s11, s12;
	[sflag:s5] =	ssyncset.done $0x0  }
0xc: {  	s9 =	sadd.s32 s10, s9;
	s10 =	smax.u32 s31, $0x1;
	[sflag:s5] =	ssyncadd.s32 $0xFFFFFF80  }
0xd: {  	[tilespmem:s3], [sflag:$0x1] =	stream.indirect.gather [hbm4b:s2+s7], $0x80, s6, s7, $0xb8;
	[tilespmem:$0x4080] =	vst v63  }
0xe: {  	p0 =	sne.s32 s10, $0x1;
	_ =	swait.ge [sflag:s8], $0x4000  }
.Ltmp0:
0xf: {  	[sflag:s8] =	ssyncset.done $0x0;
	(pc) =	sbr.rel @!p0 .LBB2_2-.Ltmp0, $4  }
0x10: {  	s9 =	sadd.s32 $0x1A00, s9;
	[sflag:s8] =	ssyncadd.s32 $0xFFFFC000  }
0x11: {  	[hbm4b:s9+s3] =	stream.linear.scatter [tilespmem:s3], [sflag:$0x2], $0x4000, $0x38;
	[tilespmem:$0x4080] =	vst v63  }
0x12: {  	_ =	swait.ge [sflag:s5], $0x4000  }
0x13: {  	s10 =	sadd.s32 $0xFFFFFFFF, s10;
	[sflag:s5] =	ssyncset.done $0x0  }
.LBB2_1:
0x14: {  	p0 =	sne.s32 s10, $0x1;
	s10 =	sadd.s32 $0xFFFFFFFF, s10;
	[sflag:s5] =	ssyncadd.s32 $0xFFFFC000  }
0x15: {  	[tilespmem:s6], [sflag:$0x2] =	stream.linear.gather [hbm4b:s4+s3], $0x80, $0x38;
	[tilespmem:$0x4080] =	vst v63  }
0x16: {  	_ =	swait.ge [sflag:s5], $0x80  }
0x17: {  	[sflag:s5] =	ssyncset.done $0x0  }
0x18: {  	[sflag:s5] =	ssyncadd.s32 $0xFFFFFF80  }
0x19: {  	[tilespmem:s3], [sflag:$0x1] =	stream.indirect.gather [hbm4b:s2+s7], $0x80, s6, s7, $0xb8;
	[tilespmem:$0x4080] =	vst v63  }
0x1a: {  	_ =	swait.ge [sflag:s8], $0x4000  }
.Ltmp1:
0x1b: {  	[sflag:s8] =	ssyncset.done $0x0;
	(pc) =	sbr.rel @p0 .LBB2_1-.Ltmp1, $4  }
0x1c: {  	[sflag:s8] =	ssyncadd.s32 $0xFFFFC000  }
0x1d: {  	[hbm4b:s9+s3] =	stream.linear.scatter [tilespmem:s3], [sflag:$0x2], $0x4000, $0x38;
	[tilespmem:$0x4080] =	vst v63  }
0x1e: {  	_ =	swait.ge [sflag:s5], $0x4000  }
0x1f: {  	[sflag:s5] =	ssyncset.done $0x0  }
.LBB2_2:
0x20: {  	[sflag:s5] =	ssyncadd.s32 $0xFFFFC000  }
0x21: {  	_ =	sfence.sel $0x180000  }
0x22: {  	[bflag:$0x0] =	sbarrier.arrive $0xFFFF  }
0x23: {  	p0 =	sne.s32 s1, $0x0;
	_ =	strace $0x9000004A  }
0x24: {  	s0 =	sadd.s32 @!p0 $0x100000, s0;
	[bflag:$0x2] =	sbarrier.arrive $0xFFFF  }
0x25: {  	[sflag:s0] =	ssyncadd.tile.s32 @!p0 $0x1;
	_ =	shalt  }
.Lfunc_end2:
_tile_overlayer_lowered:
.L_overlay_start_2:
0x26: {  	(tag) =	ssettag $0x2  }
0x27: {  	s0 =	rddreg [dreg:$0x0];
	s2 =	stileid.u32  }
0x28: {  	s1 =	rddreg [dreg:$0x1];
	p0 =	sne.s32 s2, $0x0  }
0x29: {  	s3 =	rddreg [dreg:$0x2];
	[bflag:$0x3] =	sbarrier.arrive $0xFFFF;
	s2 =	simm.s32 @!p0 $0x1C02  }
0x2a: {  	[timem:s3], [sflag:s2] =	dma.local @!p0 [hbm:s0], s1  }
0x2b: {  	s0 =	simm.s32 @!p0 $0x2  }
0x2c: {  	_ =	swait.ge @!p0 [sflag:s0], s1  }
0x2d: {  	s1 =	ssub.s32 @!p0 $0x0, s1;
	[sflag:s0] =	ssyncset.done @!p0 $0x0  }
0x2e: {  	[sflag:s0] =	ssyncadd.s32 @!p0 s1  }
0x2f: {  	[bflag:$0x3] =	sbarrier.arrive $0xFFFF  }
0x30: {  	_ =	shalt  }

// kernel: kernel.9.cloned.1.call-start
scs
__scs_entry_jumppad:
0x0: {  	(pc) =	sbr.rel $0x88, $3  }
0x1: {  	(tag) =	ssettag $0x0;
	lr =	simm.s32 $0x1  }
0x2: {  	[smem:$0x3F9B] =	sst lr;
	_ =	strace $0xD0000000  }
0x3: {  	_ = 	snop  }
0x4: {  	_ = 	snop  }
0x5: {  	_ = 	snop  }
0x6: {  	_ = 	snop  }
0x7: {  	_ = 	snop  }
__scs_overlays_trampoline_lowered:
0x8: {  	[smem:$0x3FAA] =	sst s0  }
0x9: {  	[smem:$0x3FAB] =	sst s1  }
0xa: {  	[smem:$0x3FAC] =	sst s2  }
0xb: {  	[smem:$0x3FAD] =	sst s3  }
0xc: {  	[smem:$0x3FAE] =	sst s4  }
0xd: {  	[smem:$0x3FAF] =	sst s5  }
0xe: {  	[smem:$0x3FB0] =	sst s6  }
0xf: {  	[smem:$0x3FB1] =	sst s7  }
0x10: {  	[smem:$0x3FB2] =	sst s8  }
0x11: {  	[smem:$0x3FB3] =	sst s9;
	s0 =	simm.s32 @!p0 $0x0  }
0x12: {  	s1 =	sld [smem:$0x3F99];
	s0 =	simm.s32 @p0 $0x1  }
0x13: {  	[smem:$0x3FB4] =	sst s0;
	s0 =	simm.s32 @!p1 $0x0  }
0x14: {  	s2 =	sld [smem:$0x3F98];
	s0 =	simm.s32 @p1 $0x1  }
0x15: {  	[smem:$0x3FB5] =	sst s0;
	s0 =	simm.s32 @!p2 $0x0  }
0x16: {  	s3 =	sld [smem:$0x3FDB];
	s0 =	simm.s32 @p2 $0x1  }
0x17: {  	s4 =	simm.s32 $0x1BF5;
	[smem:$0x3FB7] =	sst s0  }
0x18: {  	s0 =	sld [smem:$0x3F9A];
	_ =	swait.ge [sflag:s4], $0x0  }
0x19: {  	s7 =	sld [smem:$0x3F9B]  }
0x1a: {  	s8 =	sadd.s32 $0xFFFFE003, lr  }
0x1b: {  	s9 =	sadd.s32 $0xFFFFFEF7, lr;
	s5 =	simm.s32 $0xFFFFFFFF;
	p2 =	slt.u32 s8, $0xFFFFF086  }
0x1c: {  	p1 =	slt.u32 s9, $0xF7A;
	s5 =	simm.s32 @!p2 $0x0  }
0x1d: {  	s5 =	simm.s32 @p1 $0x1;
	p0 =	seq.s32 s7, s2  }
0x1e: {  	s7 =	smul.u32 @!p0 $0xF7A, s2;
	p2 =	seq.s32 @!p0 s5, $0x0  }
0x1f: {  	s9 =	smul.u32 $0xF7A, s1;
	s8 =	simm.s32 @!p0 $0x1BF5;
	p2 =	por !p2, p0  }
0x20: {  	[sflag:s8] =	ssyncset.s32 @!p0 $0xFFFFF086;
	s6 =	sadd.s32 @!p0 s3, s7;
	s7 =	simm.s32 @!p0 $0x108  }
0x21: {  	s3 =	sadd.s32 s3, s9;
	s6 =	sadd.s32 @!p0 $0x88, s6;
	s7 =	simm.s32 @p2 $0x1082  }
0x22: {  	[simem:s7], [sflag:s8] =	dma.local @!p0 [hbm:s6], $0xF7A  }
0x23: {  	s9 =	sor.u32 $0xD0000000, s2;
	s6 =	simm.s32 $0x108;
	_ =	swait.ge @!p0 [sflag:s8], $0x0  }
0x24: {  	s3 =	sadd.s32 $0x88, s3;
	s6 =	simm.s32 @!p1 $0x1082;
	[sflag:s4] =	ssyncset.s32 $0xFFFFF086  }
0x25: {  	[simem:s6], [sflag:s4] =	dma.local [hbm:s3], $0xF7A  }
0x26: {  	[smem:$0x3F9B] =	sst s1;
	(tag) =	ssettag s2;
	_ =	strace s9  }
0x27: {  	s1 =	sld [smem:$0x3FAB]  }
0x28: {  	s2 =	sld [smem:$0x3FAC]  }
0x29: {  	s4 =	sld [smem:$0x3FAE]  }
0x2a: {  	p0 =	seq.s32 s5, $0x0;
	s5 =	sld [smem:$0x3FAF]  }
0x2b: {  	s6 =	sld [smem:$0x3FB0]  }
0x2c: {  	s7 =	sld [smem:$0x3FB1]  }
0x2d: {  	s3 =	simm.s32 $0x108;
	s8 =	sld [smem:$0x3FB2]  }
0x2e: {  	s3 =	simm.s32 @!p0 $0x1082;
	s9 =	sld [smem:$0x3FB3]  }
0x2f: {  	lr =	sadd.s32 s0, s3;
	s0 =	sld [smem:$0x3FAA]  }
0x30: {  	s3 =	sld [smem:$0x3FAD]  }
0x31: {  	[smem:$0x3FB6] =	sst s10  }
0x32: {  	s10 =	sld [smem:$0x3FB4];
	_ =	sdelay $0x3  }
0x33: {  	p0 =	seq.s32 s10, $0x1;
	s10 =	sld [smem:$0x3FB6];
	_ =	sdelay $0x3  }
0x34: {  	[smem:$0x3FB6] =	sst s10  }
0x35: {  	s10 =	sld [smem:$0x3FB5];
	_ =	sdelay $0x3  }
0x36: {  	p1 =	seq.s32 s10, $0x1;
	s10 =	sld [smem:$0x3FB6];
	_ =	sdelay $0x3  }
0x37: {  	[smem:$0x3FB6] =	sst s10  }
0x38: {  	s10 =	sld [smem:$0x3FB7]  }
0x39: {  	_ = 	snop;
	(pc) =	sbr.ind lr, $3  }
0x3a: {  	_ = 	snop  }
0x3b: {  	_ = 	snop  }
0x3c: {  	p2 =	seq.s32 s10, $0x1;
	s10 =	sld [smem:$0x3FB6]  }
0x3d: {  	_ =	shalt  }
0x3e: {  	_ =	shalt  }
0x3f: {  	_ =	shalt  }
0x40: {  	_ =	shalt  }
0x41: {  	_ =	shalt  }
0x42: {  	_ =	shalt  }
0x43: {  	_ =	shalt  }
0x44: {  	_ =	shalt  }
0x45: {  	_ =	shalt  }
0x46: {  	_ =	shalt  }
0x47: {  	_ =	shalt  }
0x48: {  	_ =	shalt  }
0x49: {  	_ =	shalt  }
0x4a: {  	_ =	shalt  }
0x4b: {  	_ =	shalt  }
0x4c: {  	_ =	shalt  }
0x4d: {  	_ =	shalt  }
0x4e: {  	_ =	shalt  }
0x4f: {  	_ =	shalt  }
0x50: {  	_ =	shalt  }
0x51: {  	_ =	shalt  }
0x52: {  	_ =	shalt  }
0x53: {  	_ =	shalt  }
0x54: {  	_ =	shalt  }
0x55: {  	_ =	shalt  }
0x56: {  	_ =	shalt  }
0x57: {  	_ =	shalt  }
0x58: {  	_ =	shalt  }
0x59: {  	_ =	shalt  }
0x5a: {  	_ =	shalt  }
0x5b: {  	_ =	shalt  }
0x5c: {  	_ =	shalt  }
0x5d: {  	_ =	shalt  }
0x5e: {  	_ =	shalt  }
0x5f: {  	_ =	shalt  }
0x60: {  	_ =	shalt  }
0x61: {  	_ =	shalt  }
0x62: {  	_ =	shalt  }
0x63: {  	_ =	shalt  }
0x64: {  	_ =	shalt  }
0x65: {  	_ =	shalt  }
0x66: {  	_ =	shalt  }
0x67: {  	_ =	shalt  }
0x68: {  	_ =	shalt  }
0x69: {  	_ =	shalt  }
0x6a: {  	_ =	shalt  }
0x6b: {  	_ =	shalt  }
0x6c: {  	_ =	shalt  }
0x6d: {  	_ =	shalt  }
0x6e: {  	_ =	shalt  }
0x6f: {  	_ =	shalt  }
0x70: {  	_ =	shalt  }
0x71: {  	_ =	shalt  }
0x72: {  	_ =	shalt  }
0x73: {  	_ =	shalt  }
0x74: {  	_ =	shalt  }
0x75: {  	_ =	shalt  }
0x76: {  	_ =	shalt  }
0x77: {  	_ =	shalt  }
0x78: {  	_ =	shalt  }
0x79: {  	_ =	shalt  }
0x7a: {  	_ =	shalt  }
0x7b: {  	_ =	shalt  }
0x7c: {  	_ =	shalt  }
0x7d: {  	_ =	shalt  }
0x7e: {  	_ =	shalt  }
0x7f: {  	_ =	shalt  }
0x80: {  	_ =	shalt  }
0x81: {  	_ =	shalt  }
0x82: {  	_ =	shalt  }
0x83: {  	_ =	shalt  }
0x84: {  	_ =	shalt  }
0x85: {  	_ =	shalt  }
0x86: {  	_ =	shalt  }
0x87: {  	_ =	shalt  }
.Lfunc_end0:
.L_simem_size_0:
called_computation_lowered:
.L_overlay_start_0:
0x88: {  	s2 =	sld [smem:$0x3FD9]  }
0x89: {  	s3 =	sld [smem:$0x3FFE];
	_ =	sdelay $0x1  }
0x8a: {  	s1 =	srdreg.scid  }
0x8b: {  	s0 =	sand.u32 $0x1, s1  }
0x8c: {  	s14 =	sshll.u32 s0, $0xA;
	s2 =	sadd.s32 s3, s2  }
0x8d: {  	s2 =	sadd.s32 s2, s14  }
0x8e: {  	[smem:$0x3FC2] =	sst s2  }
0x8f: {  	_ = 	snop  }
0x90: {  	s2 =	sld [smem:$0x3FD0];
	_ =	sdelay $0x2  }
0x91: {  	s15 =	simm.s32 $0xA;
	s4 =	simm.s32 $0x10  }
0x92: {  	[smem:s4], [sflag:s15] =	dma.local [hbm:s2], $0x1  }
0x93: {  	_ =	swait.eq [sflag:s15], $0x1  }
0x94: {  	[sflag:s15] =	ssyncset.done $0x0  }
0x95: {  	s16 =	sld [smem:$0x10];
	[sflag:s15] =	ssyncadd.s32 $0xFFFFFFFF  }
0x96: {  	s17 =	sld [smem:$0x11];
	(tm) =	ssettm $0x1  }
0x97: {  	s18 =	sld [smem:$0x3FFB];
	_ =	sdelay $0x3  }
0x98: {  	_ =	strace s18  }
0x99: {  	s4 =	sld [smem:$0x3FFC];
	_ =	sdelay $0x3  }
0x9a: {  	_ =	strace s4  }
0x9b: {  	s4 =	sld [smem:$0x3FFD];
	_ =	sdelay $0x3  }
0x9c: {  	_ =	strace s4  }
0x9d: {  	_ =	strace $0x8FFFFFFF  }
0x9e: {  	s19 =	sld [smem:$0x3FDB];
	_ =	sdelay $0x1  }
0x9f: {  	s5 =	simm.s32 $_scs_section_size  }
0xa0: {  	s6 =	simm.s32 $_size__tile_overlayer_lowered;
	s7 =	simm.s32 $_tile_overlayer_lowered  }
0xa1: {  	s22 =	simm.s32 $0x1BFF;
	s21 =	sshll.u32 s7, $0x1;
	s4 =	sadd.s32 s5, s19  }
0xa2: {  	s8 =	simm.s32 $0x0;
	s20 =	sshll.u32 s6, $0x1;
	s6 =	sadd.s32 s21, s4  }
0xa3: {  	[timem:s8], [sflag:s22] =	dma.local [hbm:s6], s20  }
0xa4: {  	_ =	swait.ge [sflag:s22], s20  }
0xa5: {  	s5 =	ssub.s32 $0x0, s20;
	[sflag:s22] =	ssyncset.done $0x0  }
0xa6: {  	[sflag:s22] =	ssyncadd.s32 s5;
	_ =	sdelay $0x1  }
0xa7: {  	s23 =	simm.s32 $0x1B8B  }
0xa8: {  	_ =	swait.ge [sflag:s23], $0x1  }
0xa9: {  	[sflag:s23] =	ssyncset.done $0x0  }
0xaa: {  	s25 =	simm.s32 $0x1B8E;
	s24 =	sld [smem:$0x3FFE];
	[sflag:s23] =	ssyncadd.s32 $0xFFFFFFFF  }
0xab: {  	s26 =	simm.s32 $execute0_lowered;
	[smem:$0x3FD2] =	sst s25  }
0xac: {  	s6 =	sshll.u32 s26, $0x1;
	_ =	strace $0x80000046;
	[dreg:$0x1] =	wrdreg $0xFFFFFFFF  }
0xad: {  	s28 =	simm.s32 $_size_execute0_lowered;
	s4 =	sadd.s32 s4, s6;
	[dreg:$0x0] =	wrdreg $0x0  }
0xae: {  	s6 =	sshll.u32 s28, $0x1;
	[dreg:$0x2] =	wrdreg s4  }
0xaf: {  	[dreg:$0x3] =	wrdreg s6  }
0xb0: {  	[dreg:$0x4] =	wrdreg $0xC0  }
0xb1: {  	_ =	task [dreg:s8], $0x5FFFF  }
0xb2: {  	[dreg:$0x1] =	wrdreg $0xFFFFFFFF  }
0xb3: {  	[dreg:$0x0] =	wrdreg $0x60  }
0xb4: {  	[dreg:$0x2] =	wrdreg s16  }
0xb5: {  	[dreg:$0x3] =	wrdreg s17  }
0xb6: {  	[dreg:$0x4] =	wrdreg s24  }
0xb7: {  	[dreg:$0x5] =	wrdreg $0x9  }
0xb8: {  	_ =	task.clear_ibuf [dreg:s8], $0x6FFFF;
	_ =	strace $0x90000046  }
0xb9: {  	s29 =	simm.s32 $0x9;
	_ =	strace $0x80000048  }
0xba: {  	_ =	swait.ge [sflag:s29], $0x1  }
0xbb: {  	[sflag:s29] =	ssyncadd.s32 $0xFFFFFFFF  }
0xbc: {  	_ =	strace $0x90000048  }
0xbd: {  	_ =	sfence  }
0xbe: {  	s30 =	sld [smem:$0x0];
	_ =	sdelay $0x2  }
0xbf: {  	s31 =	sshll.u32 s1, $0xD;
	s1 =	sshrl.u32 s1, $0x2  }
0xc0: {  	s3 =	sand.u32 $0x4000, s31;
	s1 =	sadd.s32 s1, s30  }
0xc1: {  	s0 =	sor.u32 s3, s0;
	s1 =	sshll.u32 s1, $0x11  }
0xc2: {  	s0 =	sor.u32 s1, s0  }
0xc3: {  	s0 =	sadd.s32 $0x8F2B, s0  }
0xc4: {  	[sflag:s0] =	ssyncadd.remote.s32 $0x1  }
0xc5: {  	_ =	sfence.sel $0xFFFF  }
0xc6: {  	[dreg:$0x0] =	wrdreg $0xFFFFFFFF;
	(pc) =	sbr.abs _section_cstart, $3  }
0xc7: {  	[dreg:$0x1] =	wrdreg $0xFFFFFFFF  }
0xc8: {  	_ =	task.clear_ibuf [dreg:s8], $0x2FFFF;
	_ =	strace $0x9FFFFFFF  }
0xc9: {  	(tm) =	ssettm $0x7FFFFFFF  }
tec
execute0_lowered:
.L_overlay_start_1:
0x0: {  	(tag) =	ssettag $0x1  }
0x1: {  	s3 =	rddreg [dreg:$0x0]  }
0x2: {  	s1 =	srdreg.scid;
	s5 =	rddreg [dreg:$0x1]  }
0x3: {  	s0 =	stileid.u32;
	s7 =	rddreg [dreg:$0x2];
	s6 =	sand.u32 $0x1, s1  }
0x4: {  	s2 =	simm.s32 $0x0;
	s4 =	sshll.u32 s0, $0x8;
	s8 =	sshll.u32 s6, $0x7  }
0x5: {  	[smem:$0x7FF] =	sst s2;
	s8 =	sor.u32 s8, s4  }
0x6: {  	s1 =	rddreg [dreg:$0x3];
	_ =	strace $0x80000047;
	s4 =	sshll.u32 s8, $0x4  }
0x7: {  	s9 =	ssub.s32 $0x2, s6;
	s3 =	sadd.s32 s3, s4;
	s4 =	simm.s32 $0x2  }
0x8: {  	[tilespmem:s2], [sflag:$0x2] =	stream.linear.gather [hbm4b:s3+s2], $0x4000, $0x38;
	[tilespmem:$0x4080] =	vst v63  }
0x9: {  	s6 =	simm.s32 $0x4000;
	s10 =	sshrl.u32 s9, $0x1;
	_ =	swait.ge [sflag:s4], $0x4000  }
0xa: {  	s30 =	sshrl.u32 s8, $0x3;
	s31 =	ssub.s32 s9, s10;
	[sflag:s4] =	ssyncset.done $0x0  }
0xb: {  	s5 =	sadd.s32 s5, s30;
	s10 =	smax.u32 s31, $0x1;
	[sflag:s4] =	ssyncadd.s32 $0xFFFFC000  }
0xc: {  	[tilespmem:s6], [sflag:$0x2] =	stream.linear.gather [hbm4b:s5+s2], $0x80, $0x38;
	[tilespmem:$0x4080] =	vst v63  }
0xd: {  	p0 =	sne.s32 s10, $0x1;
	_ =	swait.ge [sflag:s4], $0x80  }
.Ltmp0:
0xe: {  	s7 =	sadd.s32 $0x1A00, s7;
	[sflag:s4] =	ssyncset.done $0x0;
	(pc) =	sbr.rel @!p0 .LBB2_2-.Ltmp0, $4  }
0xf: {  	s9 =	simm.s32 $0x80;
	s8 =	simm.s32 $0x1;
	[sflag:s4] =	ssyncadd.s32 $0xFFFFFF80  }
0x10: {  	[hbm4b:s7+s9] =	stream.indirect.scatter [tilespmem:s2], [sflag:$0x1], $0x80, s6, s9, $0xb8;
	[tilespmem:$0x4080] =	vst v63  }
0x11: {  	_ =	swait.ge [sflag:s8], $0x4000  }
0x12: {  	s10 =	sadd.s32 $0xFFFFFFFF, s10;
	[sflag:s8] =	ssyncset.done $0x0  }
.LBB2_1:
0x13: {  	p0 =	sne.s32 s10, $0x1;
	s10 =	sadd.s32 $0xFFFFFFFF, s10;
	[sflag:s8] =	ssyncadd.s32 $0xFFFFC000  }
0x14: {  	[tilespmem:s2], [sflag:$0x2] =	stream.linear.gather [hbm4b:s3+s2], $0x4000, $0x38;
	[tilespmem:$0x4080] =	vst v63  }
0x15: {  	_ =	swait.ge [sflag:s4], $0x4000  }
0x16: {  	[sflag:s4] =	ssyncset.done $0x0  }
0x17: {  	[sflag:s4] =	ssyncadd.s32 $0xFFFFC000  }
0x18: {  	[tilespmem:s6], [sflag:$0x2] =	stream.linear.gather [hbm4b:s5+s2], $0x80, $0x38;
	[tilespmem:$0x4080] =	vst v63  }
0x19: {  	_ =	swait.ge [sflag:s4], $0x80  }
.Ltmp1:
0x1a: {  	[sflag:s4] =	ssyncset.done $0x0;
	(pc) =	sbr.rel @p0 .LBB2_1-.Ltmp1, $4  }
0x1b: {  	[sflag:s4] =	ssyncadd.s32 $0xFFFFFF80  }
0x1c: {  	[hbm4b:s7+s9] =	stream.indirect.scatter [tilespmem:s2], [sflag:$0x1], $0x80, s6, s9, $0xb8;
	[tilespmem:$0x4080] =	vst v63  }
0x1d: {  	_ =	swait.ge [sflag:s8], $0x4000  }
0x1e: {  	[sflag:s8] =	ssyncset.done $0x0  }
.LBB2_2:
0x1f: {  	[sflag:s8] =	ssyncadd.s32 $0xFFFFC000  }
0x20: {  	_ =	sfence.sel $0x180000  }
0x21: {  	[bflag:$0x0] =	sbarrier.arrive $0xFFFF  }
0x22: {  	p0 =	sne.s32 s0, $0x0;
	_ =	strace $0x90000047  }
0x23: {  	s0 =	sadd.s32 @!p0 $0x100000, s1;
	[bflag:$0x2] =	sbarrier.arrive $0xFFFF  }
0x24: {  	[sflag:s0] =	ssyncadd.tile.s32 @!p0 $0x1;
	_ =	shalt  }
.Lfunc_end2:
_tile_overlayer_lowered:
.L_overlay_start_2:
0x25: {  	(tag) =	ssettag $0x2  }
0x26: {  	s0 =	rddreg [dreg:$0x0];
	s2 =	stileid.u32  }
0x27: {  	s1 =	rddreg [dreg:$0x1];
	p0 =	sne.s32 s2, $0x0  }
0x28: {  	s3 =	rddreg [dreg:$0x2];
	[bflag:$0x3] =	sbarrier.arrive $0xFFFF;
	s2 =	simm.s32 @!p0 $0x1C02  }
0x29: {  	[timem:s3], [sflag:s2] =	dma.local @!p0 [hbm:s0], s1  }
0x2a: {  	s0 =	simm.s32 @!p0 $0x2  }
0x2b: {  	_ =	swait.ge @!p0 [sflag:s0], s1  }
0x2c: {  	s1 =	ssub.s32 @!p0 $0x0, s1;
	[sflag:s0] =	ssyncset.done @!p0 $0x0  }
0x2d: {  	[sflag:s0] =	ssyncadd.s32 @!p0 s1  }
0x2e: {  	[bflag:$0x3] =	sbarrier.arrive $0xFFFF  }
0x2f: {  	_ =	shalt  }

</sc_bundles>
